<compile_context>
chip_gen: v7x
topology: tpu7x:2x2x1
jax: 0.10.2.dev20260603
libtpu: 0.0.44.dev20260713+nightly
codegen_flags: <defaults>
</compile_context>

<pallas_src>
import functools

import numpy as np
import jax
import jax.numpy as jnp
from jax import lax
from jax.experimental import pallas as pl
from jax.experimental.pallas import tpu as pltpu
from jax.experimental.pallas import tpu_sc as plsc


def _np_rotl(x, d):
    d = np.uint32(d)
    return (x << d) | (x >> np.uint32(32 - d))


def _np_threefry2x32(k0, k1, c1, c2):
    rot = ((13, 15, 26, 6), (17, 29, 16, 24))
    ks0 = np.uint32(k0)
    ks1 = np.uint32(k1)
    ks2 = ks0 ^ ks1 ^ np.uint32(0x1BD11BDA)
    ks = (ks0, ks1, ks2)
    x0 = (c1 + ks0).astype(np.uint32)
    x1 = (c2 + ks1).astype(np.uint32)
    for i in range(5):
        for r in rot[i % 2]:
            x0 = (x0 + x1).astype(np.uint32)
            x1 = _np_rotl(x1, r)
            x1 = x0 ^ x1
        x0 = (x0 + ks[(i + 1) % 3]).astype(np.uint32)
        x1 = (x1 + ks[(i + 2) % 3] + np.uint32(i + 1)).astype(np.uint32)
    return x0, x1


def _np_split(key, num):
    idx = np.arange(num, dtype=np.uint64)
    c1 = (idx >> np.uint64(32)).astype(np.uint32)
    c2 = (idx & np.uint64(0xFFFFFFFF)).astype(np.uint32)
    b1, b2 = _np_threefry2x32(key[0], key[1], c1, c2)
    return [(b1[i], b2[i]) for i in range(num)]

_KEY = (np.uint32(0), np.uint32(42))
_K1, _K2, _K3 = _np_split(_KEY, 3)
_KA = _np_split(_K1, 2)[1]


def _rotl(x, d):
    return lax.shift_left(x, np.uint32(d)) | lax.shift_right_logical(
        x, np.uint32(32 - d))


def _threefry(ks0, ks1, c2):
    rot = ((13, 15, 26, 6), (17, 29, 16, 24))
    ks2 = ks0 ^ ks1 ^ np.uint32(0x1BD11BDA)
    ks = (ks0, ks1, ks2)
    x0 = ks0 + jnp.zeros_like(c2)
    x1 = c2 + ks1
    for i in range(5):
        for r in rot[i % 2]:
            x0 = x0 + x1
            x1 = _rotl(x1, r)
            x1 = x0 ^ x1
        x0 = x0 + ks[(i + 1) % 3]
        x1 = x1 + ks[(i + 2) % 3] + np.uint32(i + 1)
    return x0 ^ x1


def _gather_q(q_params, labels):
    B = labels.shape[0]
    H = q_params.shape[1]
    info = plsc.get_sparse_core_info()
    nw = info.num_cores * info.num_subcores
    b_per_w = B // nw
    mesh = plsc.VectorSubcoreMesh(core_axis_name="c", subcore_axis_name="s")

    @functools.partial(
        pl.kernel,
        mesh=mesh,
        out_type=jax.ShapeDtypeStruct((B, H), jnp.float32),
        scratch_types=[
            pltpu.VMEM((b_per_w,), jnp.int32),
            pltpu.VMEM((b_per_w, H), jnp.float32),
            pltpu.SemaphoreType.DMA,
        ],
    )
    def k(table_hbm, idx_hbm, out_hbm, idx_v, rows_v, sem):
        wid = lax.axis_index("s") * info.num_cores + lax.axis_index("c")
        base = wid * b_per_w
        pltpu.sync_copy(idx_hbm.at[pl.ds(base, b_per_w)], idx_v)
        pltpu.async_copy(table_hbm.at[idx_v], rows_v, sem).wait()
        pltpu.sync_copy(rows_v, out_hbm.at[pl.ds(base, b_per_w)])

    return k(q_params, labels)


def _rng_body(num_scales, max_t, bm, gum_ref, aug_ref):
    nts = max_t * num_scales
    g2base = nts
    augbase = nts + max_t

    i = pl.program_id(0)
    rowg = lax.broadcasted_iota(jnp.uint32, (bm, 128), 0) + np.uint32(bm) * i.astype(jnp.uint32)
    col = lax.broadcasted_iota(jnp.uint32, (bm, 128), 1)
    is_g3 = col < np.uint32(g2base)
    is_g2 = col < np.uint32(augbase)
    counts = jnp.where(
        is_g3, np.uint32(nts) * rowg + col,
        np.uint32(max_t) * rowg + col -
        jnp.where(is_g2, np.uint32(g2base), np.uint32(augbase)))
    k0 = jnp.where(is_g3, np.uint32(_K3[0]),
                   jnp.where(is_g2, np.uint32(_K2[0]), np.uint32(_KA[0])))
    k1 = jnp.where(is_g3, np.uint32(_K3[1]),
                   jnp.where(is_g2, np.uint32(_K2[1]), np.uint32(_KA[1])))
    bits = _threefry(k0, k1, counts)

    fb = lax.shift_right_logical(bits, np.uint32(9)) | np.uint32(0x3F800000)
    f = lax.bitcast_convert_type(fb, jnp.float32) - 1.0
    tiny = np.float32(np.finfo(np.float32).tiny)
    u = jnp.maximum(tiny, f * np.float32(1.0) + tiny)
    gum_ref[...] = -jnp.log(-jnp.log(u))
    aug_ref[...] = lax.bitcast_convert_type(bits & np.uint32(15), jnp.int32)


def _sample_body(num_ops, num_scales, max_t, bm,
                 q_ref, se_ref, nte_ref, gum_ref, augb_ref,
                 augout_ref, scout_ref):
    nts = max_t * num_scales
    g2base = nts
    augbase = nts + max_t
    NEG = np.float32(-1e30)
    gum = gum_ref[...]
    augbits = augb_ref[...]
    q = q_ref[...]

    se = se_ref[...]
    w = jnp.concatenate(
        [se, jnp.zeros((num_ops, 32 - num_scales, 128), jnp.float32)],
        axis=1).reshape(num_ops * 32, 128)
    acc = lax.dot_general(q, w, (((1,), (1,)), ((), ())),
                          preferred_element_type=jnp.float32)
    ant = lax.dot_general(q, nte_ref[...], (((1,), (1,)), ((), ())),
                          preferred_element_type=jnp.float32)

    a0 = ant[:, 0:1] + gum[:, g2base:g2base + 1]
    a1 = ant[:, 1:2] + gum[:, g2base + 1:g2base + 2]
    a2 = ant[:, 2:3] + gum[:, g2base + 2:g2base + 3]
    nt_idx = jnp.where(a1 > a0, 1, 0)
    nt_idx = jnp.where(a2 > jnp.maximum(a0, a1), 2, nt_idx)
    n_transforms = nt_idx + 1

    quarters = [acc[:, j * 128:(j + 1) * 128] for j in range(4)]
    col128 = lax.broadcasted_iota(jnp.int32, (bm, 128), 1)
    aug_cols = []
    sc_cols = []
    for t in range(max_t):
        ind_t = augbits[:, augbase + t:augbase + t + 1]
        j0 = lax.shift_right_logical(ind_t, 2)
        lb = ind_t & 3
        fq = jnp.where(j0 == 0, quarters[0],
                       jnp.where(j0 == 1, quarters[1],
                                 jnp.where(j0 == 2, quarters[2], quarters[3])))
        m = jnp.roll(gum, -num_scales * t, axis=1) if t else gum
        m = jnp.where(col128 < num_scales, m, NEG)
        m = jnp.where(col128 >= 32, jnp.roll(m, 32, axis=1), m)
        m = jnp.where(col128 >= 64, jnp.roll(m, 64, axis=1), m)
        vals = jnp.where(lax.shift_right_logical(col128, 5) == lb,
                         fq + m, NEG)
        mx = jnp.max(vals, axis=1, keepdims=True)
        sc = jnp.min(jnp.where(vals == mx, col128, 128), axis=1,
                     keepdims=True)
        sc_cols.append(sc & 31)
        aug_cols.append(jnp.where(t < n_transforms, ind_t, 0))
    augout_ref[...] = jnp.concatenate(aug_cols, axis=1)
    scout_ref[...] = jnp.concatenate(sc_cols, axis=1)


def kernel(imgs, labels, q_params, op_embs, num_transforms_embs, scale_embs):
    B = imgs.shape[0]
    num_ops, num_scales, H = scale_embs.shape
    max_t = num_transforms_embs.shape[0]
    q = _gather_q(q_params, labels.astype(jnp.int32))

    bmr = 4096
    gum, augbits = pl.pallas_call(
        functools.partial(_rng_body, num_scales, max_t, bmr),
        grid=(B // bmr,),
        in_specs=[],
        out_specs=[
            pl.BlockSpec((bmr, 128), lambda i: (i, 0)),
            pl.BlockSpec((bmr, 128), lambda i: (i, 0)),
        ],
        out_shape=[
            jax.ShapeDtypeStruct((B, 128), jnp.float32),
            jax.ShapeDtypeStruct((B, 128), jnp.int32),
        ],
    )()

    bm = 1024
    grid = (B // bm,)
    augout, scout = pl.pallas_call(
        functools.partial(_sample_body, num_ops, num_scales, max_t, bm),
        grid=grid,
        in_specs=[
            pl.BlockSpec((bm, H), lambda i: (i, 0)),
            pl.BlockSpec((num_ops, num_scales, H), lambda i: (0, 0, 0)),
            pl.BlockSpec((max_t, H), lambda i: (0, 0)),
            pl.BlockSpec((bm, 128), lambda i: (i, 0)),
            pl.BlockSpec((bm, 128), lambda i: (i, 0)),
        ],
        out_specs=[
            pl.BlockSpec((bm, max_t), lambda i: (i, 0)),
            pl.BlockSpec((bm, max_t), lambda i: (i, 0)),
        ],
        out_shape=[
            jax.ShapeDtypeStruct((B, max_t), jnp.int32),
            jax.ShapeDtypeStruct((B, max_t), jnp.int32),
        ],
    )(q, scale_embs, num_transforms_embs, gum, augbits)

    return (augout, scout)

# --- scband reference (transcript-rebuilt; emitter-appended) ---
"""Pipeline reference for scband-rand-augmentation-sampler-81518479278236 (READ-ONLY COPY).

The authoritative reference and input builder live on the scoring server;
editing this copy changes nothing except your own understanding.
"""

import jax, jax.numpy as jnp
import numpy as np

B = 4096
NUM_LABELS = 1000
HIDDEN = 128
NUM_TRANSFORMS = 16
NUM_SCALES = 31
POSSIBLE_NUM_SEQ = np.array([1, 2, 3], dtype=np.int32)


def setup_inputs(seed: int = 0) -> dict:
    key = jax.random.key(seed)
    ks = jax.random.split(key, 6)
    return {
        "imgs": jax.random.normal(ks[0], (B, 3, 32, 32), dtype=jnp.float32),
        "labels": jax.random.randint(ks[1], (B,), 0, NUM_LABELS),
        "q_params": jax.random.normal(ks[2], (NUM_LABELS, HIDDEN), dtype=jnp.float32),
        "op_embs": jax.random.normal(ks[3], (NUM_TRANSFORMS, HIDDEN), dtype=jnp.float32),
        "num_transforms_embs": jax.random.normal(ks[4], (len(POSSIBLE_NUM_SEQ), HIDDEN), dtype=jnp.float32),
        "scale_embs": jax.random.normal(ks[5], (NUM_TRANSFORMS, NUM_SCALES, HIDDEN), dtype=jnp.float32),
    }


def reference(imgs, labels, q_params, op_embs, num_transforms_embs, scale_embs):
    num_samples = imgs.shape[0]
    num_ops = op_embs.shape[0]
    max_T = num_transforms_embs.shape[0]

    key = jax.random.key(42)
    k1, k2, k3 = jax.random.split(key, 3)

    # torch.randint(num_ops, (num_samples, max_T))
    augmentation_inds = jax.random.randint(k1, (num_samples, max_T), 0, num_ops)

    # compute_q with use_labels=True: q = q_params[labels]
    q = jnp.take(q_params, labels, axis=0)  # [B, H]

    num_transforms_logits = q @ num_transforms_embs.T  # [B, T]
    # multinomial(softmax(logits), 1) == categorical(logits)
    sampled_transform_indices = jax.random.categorical(k2, num_transforms_logits, axis=-1)  # [B]

    possible = jnp.asarray(POSSIBLE_NUM_SEQ)
    sampled_num_transforms = possible[sampled_transform_indices]  # [B]
    augmentation_mask = (jnp.arange(max_T)[None, :] >= sampled_num_transforms[:, None])  # [B, T]

    # get_scale_logits (has_input=True): gather per-op scale embeddings, contract with q
    gathered = jnp.take(scale_embs, augmentation_inds, axis=0)  # [B, T, S, H]
    scale_logits = jnp.einsum('bh,btsh->bts', q, gathered)  # [B, T, S]

    flat_logits = scale_logits.reshape(-1, scale_logits.shape[2])
    sampled_scales = jax.random.categorical(k3, flat_logits, axis=-1).reshape(num_samples, max_T)

    # get_scale_logps
    log_p_scale = jax.nn.log_softmax(scale_logits, axis=2)
    log_ps_of_sampled_scales = jnp.take_along_axis(
        log_p_scale, sampled_scales[:, :, None], axis=2
    )[:, :, 0]  # [B, T]

    augmentation_inds = jnp.where(augmentation_mask, 0, augmentation_inds)
    log_ps_of_sampled_scales = jnp.where(augmentation_mask, 0.0, log_ps_of_sampled_scales)

    # get_numaug_logps (aug_logits is None branch)
    log_p_num_transforms = jax.nn.log_softmax(num_transforms_logits, axis=-1)
    numaug_logps = jnp.take_along_axis(
        log_p_num_transforms, sampled_transform_indices[:, None], axis=1
    )[:, 0]
    logps = numaug_logps + log_ps_of_sampled_scales.sum(axis=1)  # side output stored as self.logps
    del logps

    return (augmentation_inds, sampled_scales)

if __name__ == "__main__":
    import jax
    _d = setup_inputs()
    print(jax.jit(kernel)(*tuple(_d.values())))

</pallas_src>

<mosaic_0001>
#map = affine_map<(d0, d1) -> (0, 0)>
#map1 = affine_map<(d0, d1) -> (0)>
module attributes {stable_mosaic.version = 14 : i64} {
  func.func @k(%arg0: i32, %arg1: i32, %arg2: memref<1000x128xf32, #tpu.memory_space<hbm>>, %arg3: memref<4096xi32, #tpu.memory_space<hbm>>, %arg4: memref<4096x128xf32, #tpu.memory_space<hbm>>, %arg5: memref<128xi32, #tpu.memory_space<vmem>>, %arg6: memref<128x128xf32, #tpu.memory_space<vmem>>, %arg7: memref<!tpu.dma_semaphore, #tpu.memory_space<semaphore_mem>>) attributes {dimension_semantics = [#tpu.dimension_semantics<core_parallel>, #tpu.dimension_semantics<subcore_parallel>], iteration_bounds = array<i64: 2, 16>, scalar_prefetch = 0 : i64, scratch_operands = 3 : i64, tpu.core_type = #tpu.core_type<sc_vector_subcore>, window_params = [{transform_indices = #map}, {transform_indices = #map1}, {transform_indices = #map}]} {
    %mul3A = arith.constant 2 : i32
    %mul3A_0 = arith.muli %arg1, %mul3A : i32
    %add3A = arith.addi %mul3A_0, %arg0 : i32
    %mul3A_1 = arith.constant 128 : i32
    %mul3A_2 = arith.muli %add3A, %mul3A_1 : i32
    "tpu.region"() ({
      %run_scoped3A = tpu.sem_alloc : memref<!tpu.dma_semaphore, #tpu.memory_space<semaphore_mem>>
      %dma_start3A_7 = tpu.memref_slice %arg3[%mul3A_2] : memref<4096xi32, #tpu.memory_space<hbm>> -> memref<128xi32, #tpu.memory_space<hbm>>
      %dma_start3A_8 = tpu.memref_slice %arg3[%mul3A_2] : memref<4096xi32, #tpu.memory_space<hbm>> -> memref<128xi32, #tpu.memory_space<hbm>>
      tpu.enqueue_dma source(%dma_start3A_8 : memref<128xi32, #tpu.memory_space<hbm>>) target(%arg5 : memref<128xi32, #tpu.memory_space<vmem>>) target_semaphore(%run_scoped3A : memref<!tpu.dma_semaphore, #tpu.memory_space<semaphore_mem>>)
      %dma_wait3A_9 = tpu.memref_slice %arg3[%mul3A_2] : memref<4096xi32, #tpu.memory_space<hbm>> -> memref<128xi32, #tpu.memory_space<hbm>>
      %dma_wait3A_10 = tpu.memref_slice %arg3[%mul3A_2] : memref<4096xi32, #tpu.memory_space<hbm>> -> memref<128xi32, #tpu.memory_space<hbm>>
      tpu.wait_dma2 semaphore(%run_scoped3A : memref<!tpu.dma_semaphore, #tpu.memory_space<semaphore_mem>>) src(%dma_wait3A_10 : memref<128xi32, #tpu.memory_space<hbm>>) dst(%arg5 : memref<128xi32, #tpu.memory_space<vmem>>)
      tpu.yield
    }) : () -> ()
    %dma_start3A = arith.constant 0 : i32
    %dma_start3A_3 = arith.constant 0 : i32
    %dma_start3A_4 = tpu.memref_slice %arg2[%dma_start3A, %dma_start3A_3] : memref<1000x128xf32, #tpu.memory_space<hbm>> -> memref<1000x128xf32, #tpu.memory_space<hbm>>
    tpu.enqueue_indirect_dma source(%dma_start3A_4 : memref<1000x128xf32, #tpu.memory_space<hbm>>) target(%arg6 : memref<128x128xf32, #tpu.memory_space<vmem>>) offsets(%arg5 : memref<128xi32, #tpu.memory_space<vmem>>) semaphore(%arg7 : memref<!tpu.dma_semaphore, #tpu.memory_space<semaphore_mem>>)
    %dma_wait3A = arith.constant 0 : i32
    %dma_wait3A_5 = arith.constant 0 : i32
    %dma_wait3A_6 = tpu.memref_slice %arg2[%dma_wait3A, %dma_wait3A_5] : memref<1000x128xf32, #tpu.memory_space<hbm>> -> memref<1000x128xf32, #tpu.memory_space<hbm>>
    tpu.wait_indirect_dma semaphore(%arg7 : memref<!tpu.dma_semaphore, #tpu.memory_space<semaphore_mem>>) src(%dma_wait3A_6 : memref<1000x128xf32, #tpu.memory_space<hbm>>) dst(%arg6 : memref<128x128xf32, #tpu.memory_space<vmem>>)
    "tpu.region"() ({
      %run_scoped3A = tpu.sem_alloc : memref<!tpu.dma_semaphore, #tpu.memory_space<semaphore_mem>>
      %dma_start3A_7 = arith.constant 0 : i32
      %dma_start3A_8 = tpu.memref_slice %arg4[%mul3A_2, %dma_start3A_7] : memref<4096x128xf32, #tpu.memory_space<hbm>> -> memref<128x128xf32, #tpu.memory_space<hbm>>
      %dma_start3A_9 = arith.constant 0 : i32
      %dma_start3A_10 = tpu.memref_slice %arg4[%mul3A_2, %dma_start3A_9] : memref<4096x128xf32, #tpu.memory_space<hbm>> -> memref<128x128xf32, #tpu.memory_space<hbm>>
      tpu.enqueue_dma source(%arg6 : memref<128x128xf32, #tpu.memory_space<vmem>>) target(%dma_start3A_10 : memref<128x128xf32, #tpu.memory_space<hbm>>) target_semaphore(%run_scoped3A : memref<!tpu.dma_semaphore, #tpu.memory_space<semaphore_mem>>)
      %dma_wait3A_11 = arith.constant 0 : i32
      %dma_wait3A_12 = tpu.memref_slice %arg4[%mul3A_2, %dma_wait3A_11] : memref<4096x128xf32, #tpu.memory_space<hbm>> -> memref<128x128xf32, #tpu.memory_space<hbm>>
      %dma_wait3A_13 = arith.constant 0 : i32
      %dma_wait3A_14 = tpu.memref_slice %arg4[%mul3A_2, %dma_wait3A_13] : memref<4096x128xf32, #tpu.memory_space<hbm>> -> memref<128x128xf32, #tpu.memory_space<hbm>>
      tpu.wait_dma2 semaphore(%run_scoped3A : memref<!tpu.dma_semaphore, #tpu.memory_space<semaphore_mem>>) src(%arg6 : memref<128x128xf32, #tpu.memory_space<vmem>>) dst(%dma_wait3A_14 : memref<128x128xf32, #tpu.memory_space<hbm>>)
      tpu.yield
    }) : () -> ()
    return
  }
}

module attributes {stable_mosaic.version = 14 : i64} {
  func.func @_sample_body(%arg0: i32, %arg1: memref<1024x128xf32, #tpu.memory_space<vmem>>, %arg2: memref<16x31x128xf32, #tpu.memory_space<vmem>>, %arg3: memref<3x128xf32, #tpu.memory_space<vmem>>, %arg4: memref<1024x128xf32, #tpu.memory_space<vmem>>, %arg5: memref<1024x128xi32, #tpu.memory_space<vmem>>, %arg6: memref<1024x3xi32, #tpu.memory_space<vmem>>, %arg7: memref<1024x3xi32, #tpu.memory_space<vmem>>) attributes {dimension_semantics = [#tpu.dimension_semantics<arbitrary>], iteration_bounds = array<i64: 4>, scalar_prefetch = 0 : i64, scratch_operands = 0 : i64, tpu.core_type = #tpu.core_type<tc>, window_params = [{transform_indices = @transform_0, window_bounds = array<i64: 1024, 128>}, {pipeline_mode = #tpu.pipeline_mode<synchronous>, transform_indices = @transform_1, window_bounds = array<i64: 16, 31, 128>}, {pipeline_mode = #tpu.pipeline_mode<synchronous>, transform_indices = @transform_2, window_bounds = array<i64: 3, 128>}, {transform_indices = @transform_3, window_bounds = array<i64: 1024, 128>}, {transform_indices = @transform_4, window_bounds = array<i64: 1024, 128>}, {transform_indices = @transform_5, window_bounds = array<i64: 1024, 3>}, {transform_indices = @transform_6, window_bounds = array<i64: 1024, 3>}]} {
    %get3A = arith.constant 0 : index
    %get3A_0 = arith.constant 0 : index
    %get3A_1 = vector.load %arg4[%get3A, %get3A_0] : memref<1024x128xf32, #tpu.memory_space<vmem>>, vector<1024x128xf32>
    %get3A_2 = arith.constant 0 : index
    %get3A_3 = arith.constant 0 : index
    %get3A_4 = vector.load %arg5[%get3A_2, %get3A_3] : memref<1024x128xi32, #tpu.memory_space<vmem>>, vector<1024x128xi32>
    %get3A_5 = arith.constant 0 : index
    %get3A_6 = arith.constant 0 : index
    %get3A_7 = vector.load %arg1[%get3A_5, %get3A_6] : memref<1024x128xf32, #tpu.memory_space<vmem>>, vector<1024x128xf32>
    %get3A_8 = arith.constant 0 : index
    %get3A_9 = arith.constant 0 : index
    %get3A_10 = arith.constant 0 : index
    %get3A_11 = vector.load %arg2[%get3A_8, %get3A_9, %get3A_10] : memref<16x31x128xf32, #tpu.memory_space<vmem>>, vector<16x31x128xf32>
    %broadcast_in_dim3A = arith.constant 0.000000e+00 : f32
    %broadcast_in_dim3A_12 = vector.broadcast %broadcast_in_dim3A : f32 to vector<16x1x128xf32>
    %concatenate3A = tpu.concatenate %get3A_11, %broadcast_in_dim3A_12 in 1 : vector<16x31x128xf32>, vector<16x1x128xf32> -> vector<16x32x128xf32>
    %reshape3A = vector.shape_cast %concatenate3A : vector<16x32x128xf32> to vector<512x128xf32>
    %dot_general3A = arith.constant dense<0.000000e+00> : vector<1024x512xf32>
    %dot_general3A_13 = tpu.matmul %get3A_7, %reshape3A, %dot_general3A {dimension_numbers = #tpu.dot_dimension_numbers<[1], [1], [0], [0], [0, 0, 1, 0], [], []>, transpose_lhs_hint = false} : vector<1024x128xf32>, vector<512x128xf32>, vector<1024x512xf32> -> vector<1024x512xf32>
    %get3A_14 = arith.constant 0 : index
    %get3A_15 = arith.constant 0 : index
    %get3A_16 = vector.load %arg3[%get3A_14, %get3A_15] : memref<3x128xf32, #tpu.memory_space<vmem>>, vector<3x128xf32>
    %dot_general3A_17 = arith.constant dense<0.000000e+00> : vector<1024x3xf32>
    %dot_general3A_18 = tpu.matmul %get3A_7, %get3A_16, %dot_general3A_17 {dimension_numbers = #tpu.dot_dimension_numbers<[1], [1], [0], [0], [0, 0, 1, 0], [], []>, transpose_lhs_hint = false} : vector<1024x128xf32>, vector<3x128xf32>, vector<1024x3xf32> -> vector<1024x3xf32>
    %slice3A = vector.extract_strided_slice %dot_general3A_18 {offsets = [0, 0], sizes = [1024, 1], strides = [1, 1]} : vector<1024x3xf32> to vector<1024x1xf32>
    %slice3A_19 = vector.extract_strided_slice %get3A_1 {offsets = [0, 93], sizes = [1024, 1], strides = [1, 1]} : vector<1024x128xf32> to vector<1024x1xf32>
    %add3A = arith.addf %slice3A, %slice3A_19 : vector<1024x1xf32>
    %slice3A_20 = vector.extract_strided_slice %dot_general3A_18 {offsets = [0, 1], sizes = [1024, 1], strides = [1, 1]} : vector<1024x3xf32> to vector<1024x1xf32>
    %slice3A_21 = vector.extract_strided_slice %get3A_1 {offsets = [0, 94], sizes = [1024, 1], strides = [1, 1]} : vector<1024x128xf32> to vector<1024x1xf32>
    %add3A_22 = arith.addf %slice3A_20, %slice3A_21 : vector<1024x1xf32>
    %slice3A_23 = vector.extract_strided_slice %dot_general3A_18 {offsets = [0, 2], sizes = [1024, 1], strides = [1, 1]} : vector<1024x3xf32> to vector<1024x1xf32>
    %slice3A_24 = vector.extract_strided_slice %get3A_1 {offsets = [0, 95], sizes = [1024, 1], strides = [1, 1]} : vector<1024x128xf32> to vector<1024x1xf32>
    %add3A_25 = arith.addf %slice3A_23, %slice3A_24 : vector<1024x1xf32>
    %gt3A = arith.cmpf ogt, %add3A_22, %add3A : vector<1024x1xf32>
    %jit3A = arith.constant 1 : i32
    %jit3A_26 = arith.constant 0 : i32
    %broadcast_in_dim3A_27 = vector.broadcast %jit3A : i32 to vector<1024x1xi32>
    %broadcast_in_dim3A_28 = vector.broadcast %jit3A_26 : i32 to vector<1024x1xi32>
    %select_n3A = arith.select %gt3A, %broadcast_in_dim3A_27, %broadcast_in_dim3A_28 : vector<1024x1xi1>, vector<1024x1xi32>
    %max3A = arith.maximumf %add3A, %add3A_22 : vector<1024x1xf32>
    %gt3A_29 = arith.cmpf ogt, %add3A_25, %max3A : vector<1024x1xf32>
    %jit3A_30 = arith.constant 2 : i32
    %broadcast_in_dim3A_31 = vector.broadcast %jit3A_30 : i32 to vector<1024x1xi32>
    %select_n3A_32 = arith.select %gt3A_29, %broadcast_in_dim3A_31, %select_n3A : vector<1024x1xi1>, vector<1024x1xi32>
    %add3A_33 = arith.constant 1 : i32
    %add3A_34 = vector.broadcast %add3A_33 : i32 to vector<1024x1xi32>
    %add3A_35 = arith.addi %select_n3A_32, %add3A_34 : vector<1024x1xi32>
    %slice3A_36 = vector.extract_strided_slice %dot_general3A_13 {offsets = [0, 0], sizes = [1024, 128], strides = [1, 1]} : vector<1024x512xf32> to vector<1024x128xf32>
    %slice3A_37 = vector.extract_strided_slice %dot_general3A_13 {offsets = [0, 128], sizes = [1024, 128], strides = [1, 1]} : vector<1024x512xf32> to vector<1024x128xf32>
    %slice3A_38 = vector.extract_strided_slice %dot_general3A_13 {offsets = [0, 256], sizes = [1024, 128], strides = [1, 1]} : vector<1024x512xf32> to vector<1024x128xf32>
    %slice3A_39 = vector.extract_strided_slice %dot_general3A_13 {offsets = [0, 384], sizes = [1024, 128], strides = [1, 1]} : vector<1024x512xf32> to vector<1024x128xf32>
    %iota3A = tpu.iota {dimensions = array<i32: 1>} : vector<1024x128xi32>
    %slice3A_40 = vector.extract_strided_slice %get3A_4 {offsets = [0, 96], sizes = [1024, 1], strides = [1, 1]} : vector<1024x128xi32> to vector<1024x1xi32>
    %shift_right_logical3A = arith.constant 2 : i32
    %shift_right_logical3A_41 = vector.broadcast %shift_right_logical3A : i32 to vector<1024x1xi32>
    %shift_right_logical3A_42 = arith.shrui %slice3A_40, %shift_right_logical3A_41 : vector<1024x1xi32>
    %and3A = arith.constant 3 : i32
    %and3A_43 = vector.broadcast %and3A : i32 to vector<1024x1xi32>
    %and3A_44 = arith.andi %slice3A_40, %and3A_43 : vector<1024x1xi32>
    %eq3A = arith.constant 0 : i32
    %eq3A_45 = vector.broadcast %eq3A : i32 to vector<1024x1xi32>
    %eq3A_46 = arith.cmpi eq, %shift_right_logical3A_42, %eq3A_45 : vector<1024x1xi32>
    %eq3A_47 = arith.constant 1 : i32
    %eq3A_48 = vector.broadcast %eq3A_47 : i32 to vector<1024x1xi32>
    %eq3A_49 = arith.cmpi eq, %shift_right_logical3A_42, %eq3A_48 : vector<1024x1xi32>
    %eq3A_50 = arith.constant 2 : i32
    %eq3A_51 = vector.broadcast %eq3A_50 : i32 to vector<1024x1xi32>
    %eq3A_52 = arith.cmpi eq, %shift_right_logical3A_42, %eq3A_51 : vector<1024x1xi32>
    %broadcast_in_dim3A_53 = vector.shape_cast %eq3A_52 : vector<1024x1xi1> to vector<1024x1xi1>
    %broadcast_in_dim3A_54 = vector.broadcast %broadcast_in_dim3A_53 : vector<1024x1xi1> to vector<1024x128xi1>
    %select_n3A_55 = arith.select %broadcast_in_dim3A_54, %slice3A_38, %slice3A_39 : vector<1024x128xi1>, vector<1024x128xf32>
    %broadcast_in_dim3A_56 = vector.shape_cast %eq3A_49 : vector<1024x1xi1> to vector<1024x1xi1>
    %broadcast_in_dim3A_57 = vector.broadcast %broadcast_in_dim3A_56 : vector<1024x1xi1> to vector<1024x128xi1>
    %select_n3A_58 = arith.select %broadcast_in_dim3A_57, %slice3A_37, %select_n3A_55 : vector<1024x128xi1>, vector<1024x128xf32>
    %broadcast_in_dim3A_59 = vector.shape_cast %eq3A_46 : vector<1024x1xi1> to vector<1024x1xi1>
    %broadcast_in_dim3A_60 = vector.broadcast %broadcast_in_dim3A_59 : vector<1024x1xi1> to vector<1024x128xi1>
    %select_n3A_61 = arith.select %broadcast_in_dim3A_60, %slice3A_36, %select_n3A_58 : vector<1024x128xi1>, vector<1024x128xf32>
    %lt3A = arith.constant 31 : i32
    %lt3A_62 = vector.broadcast %lt3A : i32 to vector<1024x128xi32>
    %lt3A_63 = arith.cmpi slt, %iota3A, %lt3A_62 : vector<1024x128xi32>
    %jit3A_64 = arith.constant -1.000000e+30 : f32
    %broadcast_in_dim3A_65 = vector.broadcast %jit3A_64 : f32 to vector<1024x128xf32>
    %select_n3A_66 = arith.select %lt3A_63, %get3A_1, %broadcast_in_dim3A_65 : vector<1024x128xi1>, vector<1024x128xf32>
    %ge3A = arith.constant 32 : i32
    %ge3A_67 = vector.broadcast %ge3A : i32 to vector<1024x128xi32>
    %ge3A_68 = arith.cmpi sge, %iota3A, %ge3A_67 : vector<1024x128xi32>
    %slice3A_69 = vector.extract_strided_slice %select_n3A_66 {offsets = [0, 96], sizes = [1024, 32], strides = [1, 1]} : vector<1024x128xf32> to vector<1024x32xf32>
    %slice3A_70 = vector.extract_strided_slice %select_n3A_66 {offsets = [0, 0], sizes = [1024, 96], strides = [1, 1]} : vector<1024x128xf32> to vector<1024x96xf32>
    %concatenate3A_71 = tpu.concatenate %slice3A_69, %slice3A_70 in 1 : vector<1024x32xf32>, vector<1024x96xf32> -> vector<1024x128xf32>
    %select_n3A_72 = arith.select %ge3A_68, %concatenate3A_71, %select_n3A_66 : vector<1024x128xi1>, vector<1024x128xf32>
    %ge3A_73 = arith.constant 64 : i32
    %ge3A_74 = vector.broadcast %ge3A_73 : i32 to vector<1024x128xi32>
    %ge3A_75 = arith.cmpi sge, %iota3A, %ge3A_74 : vector<1024x128xi32>
    %slice3A_76 = vector.extract_strided_slice %select_n3A_72 {offsets = [0, 64], sizes = [1024, 64], strides = [1, 1]} : vector<1024x128xf32> to vector<1024x64xf32>
    %slice3A_77 = vector.extract_strided_slice %select_n3A_72 {offsets = [0, 0], sizes = [1024, 64], strides = [1, 1]} : vector<1024x128xf32> to vector<1024x64xf32>
    %concatenate3A_78 = tpu.concatenate %slice3A_76, %slice3A_77 in 1 : vector<1024x64xf32>, vector<1024x64xf32> -> vector<1024x128xf32>
    %select_n3A_79 = arith.select %ge3A_75, %concatenate3A_78, %select_n3A_72 : vector<1024x128xi1>, vector<1024x128xf32>
    %shift_right_logical3A_80 = arith.constant 5 : i32
    %shift_right_logical3A_81 = vector.broadcast %shift_right_logical3A_80 : i32 to vector<1024x128xi32>
    %shift_right_logical3A_82 = arith.shrui %iota3A, %shift_right_logical3A_81 : vector<1024x128xi32>
    %eq3A_83 = vector.broadcast %and3A_44 : vector<1024x1xi32> to vector<1024x128xi32>
    %eq3A_84 = arith.cmpi eq, %shift_right_logical3A_82, %eq3A_83 : vector<1024x128xi32>
    %add3A_85 = arith.addf %select_n3A_61, %select_n3A_79 : vector<1024x128xf32>
    %jit3A_86 = arith.constant -1.000000e+30 : f32
    %broadcast_in_dim3A_87 = vector.broadcast %jit3A_86 : f32 to vector<1024x128xf32>
    %select_n3A_88 = arith.select %eq3A_84, %add3A_85, %broadcast_in_dim3A_87 : vector<1024x128xi1>, vector<1024x128xf32>
    %reduce_max3A = arith.constant dense<0xFF800000> : vector<1024xf32>
    %reduce_max3A_89 = vector.multi_reduction <maximumf>, %select_n3A_88, %reduce_max3A [1] : vector<1024x128xf32> to vector<1024xf32>
    %broadcast_in_dim3A_90 = vector.shape_cast %reduce_max3A_89 : vector<1024xf32> to vector<1024x1xf32>
    %eq3A_91 = vector.broadcast %broadcast_in_dim3A_90 : vector<1024x1xf32> to vector<1024x128xf32>
    %eq3A_92 = arith.cmpf oeq, %select_n3A_88, %eq3A_91 : vector<1024x128xf32>
    %jit3A_93 = arith.constant 128 : i32
    %broadcast_in_dim3A_94 = vector.broadcast %jit3A_93 : i32 to vector<1024x128xi32>
    %select_n3A_95 = arith.select %eq3A_92, %iota3A, %broadcast_in_dim3A_94 : vector<1024x128xi1>, vector<1024x128xi32>
    %reduce_min3A = arith.constant dense<2147483647> : vector<1024xi32>
    %reduce_min3A_96 = vector.multi_reduction <minsi>, %select_n3A_95, %reduce_min3A [1] : vector<1024x128xi32> to vector<1024xi32>
    %broadcast_in_dim3A_97 = vector.shape_cast %reduce_min3A_96 : vector<1024xi32> to vector<1024x1xi32>
    %and3A_98 = arith.constant 31 : i32
    %and3A_99 = vector.broadcast %and3A_98 : i32 to vector<1024x1xi32>
    %and3A_100 = arith.andi %broadcast_in_dim3A_97, %and3A_99 : vector<1024x1xi32>
    %gt3A_101 = arith.constant 0 : i32
    %gt3A_102 = vector.broadcast %gt3A_101 : i32 to vector<1024x1xi32>
    %gt3A_103 = arith.cmpi sgt, %add3A_35, %gt3A_102 : vector<1024x1xi32>
    %jit3A_104 = arith.constant 0 : i32
    %broadcast_in_dim3A_105 = vector.broadcast %jit3A_104 : i32 to vector<1024x1xi32>
    %select_n3A_106 = arith.select %gt3A_103, %slice3A_40, %broadcast_in_dim3A_105 : vector<1024x1xi1>, vector<1024x1xi32>
    %slice3A_107 = vector.extract_strided_slice %get3A_4 {offsets = [0, 97], sizes = [1024, 1], strides = [1, 1]} : vector<1024x128xi32> to vector<1024x1xi32>
    %shift_right_logical3A_108 = arith.constant 2 : i32
    %shift_right_logical3A_109 = vector.broadcast %shift_right_logical3A_108 : i32 to vector<1024x1xi32>
    %shift_right_logical3A_110 = arith.shrui %slice3A_107, %shift_right_logical3A_109 : vector<1024x1xi32>
    %and3A_111 = arith.constant 3 : i32
    %and3A_112 = vector.broadcast %and3A_111 : i32 to vector<1024x1xi32>
    %and3A_113 = arith.andi %slice3A_107, %and3A_112 : vector<1024x1xi32>
    %eq3A_114 = arith.constant 0 : i32
    %eq3A_115 = vector.broadcast %eq3A_114 : i32 to vector<1024x1xi32>
    %eq3A_116 = arith.cmpi eq, %shift_right_logical3A_110, %eq3A_115 : vector<1024x1xi32>
    %eq3A_117 = arith.constant 1 : i32
    %eq3A_118 = vector.broadcast %eq3A_117 : i32 to vector<1024x1xi32>
    %eq3A_119 = arith.cmpi eq, %shift_right_logical3A_110, %eq3A_118 : vector<1024x1xi32>
    %eq3A_120 = arith.constant 2 : i32
    %eq3A_121 = vector.broadcast %eq3A_120 : i32 to vector<1024x1xi32>
    %eq3A_122 = arith.cmpi eq, %shift_right_logical3A_110, %eq3A_121 : vector<1024x1xi32>
    %broadcast_in_dim3A_123 = vector.shape_cast %eq3A_122 : vector<1024x1xi1> to vector<1024x1xi1>
    %broadcast_in_dim3A_124 = vector.broadcast %broadcast_in_dim3A_123 : vector<1024x1xi1> to vector<1024x128xi1>
    %select_n3A_125 = arith.select %broadcast_in_dim3A_124, %slice3A_38, %slice3A_39 : vector<1024x128xi1>, vector<1024x128xf32>
    %broadcast_in_dim3A_126 = vector.shape_cast %eq3A_119 : vector<1024x1xi1> to vector<1024x1xi1>
    %broadcast_in_dim3A_127 = vector.broadcast %broadcast_in_dim3A_126 : vector<1024x1xi1> to vector<1024x128xi1>
    %select_n3A_128 = arith.select %broadcast_in_dim3A_127, %slice3A_37, %select_n3A_125 : vector<1024x128xi1>, vector<1024x128xf32>
    %broadcast_in_dim3A_129 = vector.shape_cast %eq3A_116 : vector<1024x1xi1> to vector<1024x1xi1>
    %broadcast_in_dim3A_130 = vector.broadcast %broadcast_in_dim3A_129 : vector<1024x1xi1> to vector<1024x128xi1>
    %select_n3A_131 = arith.select %broadcast_in_dim3A_130, %slice3A_36, %select_n3A_128 : vector<1024x128xi1>, vector<1024x128xf32>
    %slice3A_132 = vector.extract_strided_slice %get3A_1 {offsets = [0, 31], sizes = [1024, 97], strides = [1, 1]} : vector<1024x128xf32> to vector<1024x97xf32>
    %slice3A_133 = vector.extract_strided_slice %get3A_1 {offsets = [0, 0], sizes = [1024, 31], strides = [1, 1]} : vector<1024x128xf32> to vector<1024x31xf32>
    %concatenate3A_134 = tpu.concatenate %slice3A_132, %slice3A_133 in 1 : vector<1024x97xf32>, vector<1024x31xf32> -> vector<1024x128xf32>
    %lt3A_135 = arith.constant 31 : i32
    %lt3A_136 = vector.broadcast %lt3A_135 : i32 to vector<1024x128xi32>
    %lt3A_137 = arith.cmpi slt, %iota3A, %lt3A_136 : vector<1024x128xi32>
    %jit3A_138 = arith.constant -1.000000e+30 : f32
    %broadcast_in_dim3A_139 = vector.broadcast %jit3A_138 : f32 to vector<1024x128xf32>
    %select_n3A_140 = arith.select %lt3A_137, %concatenate3A_134, %broadcast_in_dim3A_139 : vector<1024x128xi1>, vector<1024x128xf32>
    %ge3A_141 = arith.constant 32 : i32
    %ge3A_142 = vector.broadcast %ge3A_141 : i32 to vector<1024x128xi32>
    %ge3A_143 = arith.cmpi sge, %iota3A, %ge3A_142 : vector<1024x128xi32>
    %slice3A_144 = vector.extract_strided_slice %select_n3A_140 {offsets = [0, 96], sizes = [1024, 32], strides = [1, 1]} : vector<1024x128xf32> to vector<1024x32xf32>
    %slice3A_145 = vector.extract_strided_slice %select_n3A_140 {offsets = [0, 0], sizes = [1024, 96], strides = [1, 1]} : vector<1024x128xf32> to vector<1024x96xf32>
    %concatenate3A_146 = tpu.concatenate %slice3A_144, %slice3A_145 in 1 : vector<1024x32xf32>, vector<1024x96xf32> -> vector<1024x128xf32>
    %select_n3A_147 = arith.select %ge3A_143, %concatenate3A_146, %select_n3A_140 : vector<1024x128xi1>, vector<1024x128xf32>
    %ge3A_148 = arith.constant 64 : i32
    %ge3A_149 = vector.broadcast %ge3A_148 : i32 to vector<1024x128xi32>
    %ge3A_150 = arith.cmpi sge, %iota3A, %ge3A_149 : vector<1024x128xi32>
    %slice3A_151 = vector.extract_strided_slice %select_n3A_147 {offsets = [0, 64], sizes = [1024, 64], strides = [1, 1]} : vector<1024x128xf32> to vector<1024x64xf32>
    %slice3A_152 = vector.extract_strided_slice %select_n3A_147 {offsets = [0, 0], sizes = [1024, 64], strides = [1, 1]} : vector<1024x128xf32> to vector<1024x64xf32>
    %concatenate3A_153 = tpu.concatenate %slice3A_151, %slice3A_152 in 1 : vector<1024x64xf32>, vector<1024x64xf32> -> vector<1024x128xf32>
    %select_n3A_154 = arith.select %ge3A_150, %concatenate3A_153, %select_n3A_147 : vector<1024x128xi1>, vector<1024x128xf32>
    %shift_right_logical3A_155 = arith.constant 5 : i32
    %shift_right_logical3A_156 = vector.broadcast %shift_right_logical3A_155 : i32 to vector<1024x128xi32>
    %shift_right_logical3A_157 = arith.shrui %iota3A, %shift_right_logical3A_156 : vector<1024x128xi32>
    %eq3A_158 = vector.broadcast %and3A_113 : vector<1024x1xi32> to vector<1024x128xi32>
    %eq3A_159 = arith.cmpi eq, %shift_right_logical3A_157, %eq3A_158 : vector<1024x128xi32>
    %add3A_160 = arith.addf %select_n3A_131, %select_n3A_154 : vector<1024x128xf32>
    %jit3A_161 = arith.constant -1.000000e+30 : f32
    %broadcast_in_dim3A_162 = vector.broadcast %jit3A_161 : f32 to vector<1024x128xf32>
    %select_n3A_163 = arith.select %eq3A_159, %add3A_160, %broadcast_in_dim3A_162 : vector<1024x128xi1>, vector<1024x128xf32>
    %reduce_max3A_164 = arith.constant dense<0xFF800000> : vector<1024xf32>
    %reduce_max3A_165 = vector.multi_reduction <maximumf>, %select_n3A_163, %reduce_max3A_164 [1] : vector<1024x128xf32> to vector<1024xf32>
    %broadcast_in_dim3A_166 = vector.shape_cast %reduce_max3A_165 : vector<1024xf32> to vector<1024x1xf32>
    %eq3A_167 = vector.broadcast %broadcast_in_dim3A_166 : vector<1024x1xf32> to vector<1024x128xf32>
    %eq3A_168 = arith.cmpf oeq, %select_n3A_163, %eq3A_167 : vector<1024x128xf32>
    %jit3A_169 = arith.constant 128 : i32
    %broadcast_in_dim3A_170 = vector.broadcast %jit3A_169 : i32 to vector<1024x128xi32>
    %select_n3A_171 = arith.select %eq3A_168, %iota3A, %broadcast_in_dim3A_170 : vector<1024x128xi1>, vector<1024x128xi32>
    %reduce_min3A_172 = arith.constant dense<2147483647> : vector<1024xi32>
    %reduce_min3A_173 = vector.multi_reduction <minsi>, %select_n3A_171, %reduce_min3A_172 [1] : vector<1024x128xi32> to vector<1024xi32>
    %broadcast_in_dim3A_174 = vector.shape_cast %reduce_min3A_173 : vector<1024xi32> to vector<1024x1xi32>
    %and3A_175 = arith.constant 31 : i32
    %and3A_176 = vector.broadcast %and3A_175 : i32 to vector<1024x1xi32>
    %and3A_177 = arith.andi %broadcast_in_dim3A_174, %and3A_176 : vector<1024x1xi32>
    %gt3A_178 = arith.constant 1 : i32
    %gt3A_179 = vector.broadcast %gt3A_178 : i32 to vector<1024x1xi32>
    %gt3A_180 = arith.cmpi sgt, %add3A_35, %gt3A_179 : vector<1024x1xi32>
    %jit3A_181 = arith.constant 0 : i32
    %broadcast_in_dim3A_182 = vector.broadcast %jit3A_181 : i32 to vector<1024x1xi32>
    %select_n3A_183 = arith.select %gt3A_180, %slice3A_107, %broadcast_in_dim3A_182 : vector<1024x1xi1>, vector<1024x1xi32>
    %slice3A_184 = vector.extract_strided_slice %get3A_4 {offsets = [0, 98], sizes = [1024, 1], strides = [1, 1]} : vector<1024x128xi32> to vector<1024x1xi32>
    %shift_right_logical3A_185 = arith.constant 2 : i32
    %shift_right_logical3A_186 = vector.broadcast %shift_right_logical3A_185 : i32 to vector<1024x1xi32>
    %shift_right_logical3A_187 = arith.shrui %slice3A_184, %shift_right_logical3A_186 : vector<1024x1xi32>
    %and3A_188 = arith.constant 3 : i32
    %and3A_189 = vector.broadcast %and3A_188 : i32 to vector<1024x1xi32>
    %and3A_190 = arith.andi %slice3A_184, %and3A_189 : vector<1024x1xi32>
    %eq3A_191 = arith.constant 0 : i32
    %eq3A_192 = vector.broadcast %eq3A_191 : i32 to vector<1024x1xi32>
    %eq3A_193 = arith.cmpi eq, %shift_right_logical3A_187, %eq3A_192 : vector<1024x1xi32>
    %eq3A_194 = arith.constant 1 : i32
    %eq3A_195 = vector.broadcast %eq3A_194 : i32 to vector<1024x1xi32>
    %eq3A_196 = arith.cmpi eq, %shift_right_logical3A_187, %eq3A_195 : vector<1024x1xi32>
    %eq3A_197 = arith.constant 2 : i32
    %eq3A_198 = vector.broadcast %eq3A_197 : i32 to vector<1024x1xi32>
    %eq3A_199 = arith.cmpi eq, %shift_right_logical3A_187, %eq3A_198 : vector<1024x1xi32>
    %broadcast_in_dim3A_200 = vector.shape_cast %eq3A_199 : vector<1024x1xi1> to vector<1024x1xi1>
    %broadcast_in_dim3A_201 = vector.broadcast %broadcast_in_dim3A_200 : vector<1024x1xi1> to vector<1024x128xi1>
    %select_n3A_202 = arith.select %broadcast_in_dim3A_201, %slice3A_38, %slice3A_39 : vector<1024x128xi1>, vector<1024x128xf32>
    %broadcast_in_dim3A_203 = vector.shape_cast %eq3A_196 : vector<1024x1xi1> to vector<1024x1xi1>
    %broadcast_in_dim3A_204 = vector.broadcast %broadcast_in_dim3A_203 : vector<1024x1xi1> to vector<1024x128xi1>
    %select_n3A_205 = arith.select %broadcast_in_dim3A_204, %slice3A_37, %select_n3A_202 : vector<1024x128xi1>, vector<1024x128xf32>
    %broadcast_in_dim3A_206 = vector.shape_cast %eq3A_193 : vector<1024x1xi1> to vector<1024x1xi1>
    %broadcast_in_dim3A_207 = vector.broadcast %broadcast_in_dim3A_206 : vector<1024x1xi1> to vector<1024x128xi1>
    %select_n3A_208 = arith.select %broadcast_in_dim3A_207, %slice3A_36, %select_n3A_205 : vector<1024x128xi1>, vector<1024x128xf32>
    %slice3A_209 = vector.extract_strided_slice %get3A_1 {offsets = [0, 62], sizes = [1024, 66], strides = [1, 1]} : vector<1024x128xf32> to vector<1024x66xf32>
    %slice3A_210 = vector.extract_strided_slice %get3A_1 {offsets = [0, 0], sizes = [1024, 62], strides = [1, 1]} : vector<1024x128xf32> to vector<1024x62xf32>
    %concatenate3A_211 = tpu.concatenate %slice3A_209, %slice3A_210 in 1 : vector<1024x66xf32>, vector<1024x62xf32> -> vector<1024x128xf32>
    %lt3A_212 = arith.constant 31 : i32
    %lt3A_213 = vector.broadcast %lt3A_212 : i32 to vector<1024x128xi32>
    %lt3A_214 = arith.cmpi slt, %iota3A, %lt3A_213 : vector<1024x128xi32>
    %jit3A_215 = arith.constant -1.000000e+30 : f32
    %broadcast_in_dim3A_216 = vector.broadcast %jit3A_215 : f32 to vector<1024x128xf32>
    %select_n3A_217 = arith.select %lt3A_214, %concatenate3A_211, %broadcast_in_dim3A_216 : vector<1024x128xi1>, vector<1024x128xf32>
    %ge3A_218 = arith.constant 32 : i32
    %ge3A_219 = vector.broadcast %ge3A_218 : i32 to vector<1024x128xi32>
    %ge3A_220 = arith.cmpi sge, %iota3A, %ge3A_219 : vector<1024x128xi32>
    %slice3A_221 = vector.extract_strided_slice %select_n3A_217 {offsets = [0, 96], sizes = [1024, 32], strides = [1, 1]} : vector<1024x128xf32> to vector<1024x32xf32>
    %slice3A_222 = vector.extract_strided_slice %select_n3A_217 {offsets = [0, 0], sizes = [1024, 96], strides = [1, 1]} : vector<1024x128xf32> to vector<1024x96xf32>
    %concatenate3A_223 = tpu.concatenate %slice3A_221, %slice3A_222 in 1 : vector<1024x32xf32>, vector<1024x96xf32> -> vector<1024x128xf32>
    %select_n3A_224 = arith.select %ge3A_220, %concatenate3A_223, %select_n3A_217 : vector<1024x128xi1>, vector<1024x128xf32>
    %ge3A_225 = arith.constant 64 : i32
    %ge3A_226 = vector.broadcast %ge3A_225 : i32 to vector<1024x128xi32>
    %ge3A_227 = arith.cmpi sge, %iota3A, %ge3A_226 : vector<1024x128xi32>
    %slice3A_228 = vector.extract_strided_slice %select_n3A_224 {offsets = [0, 64], sizes = [1024, 64], strides = [1, 1]} : vector<1024x128xf32> to vector<1024x64xf32>
    %slice3A_229 = vector.extract_strided_slice %select_n3A_224 {offsets = [0, 0], sizes = [1024, 64], strides = [1, 1]} : vector<1024x128xf32> to vector<1024x64xf32>
    %concatenate3A_230 = tpu.concatenate %slice3A_228, %slice3A_229 in 1 : vector<1024x64xf32>, vector<1024x64xf32> -> vector<1024x128xf32>
    %select_n3A_231 = arith.select %ge3A_227, %concatenate3A_230, %select_n3A_224 : vector<1024x128xi1>, vector<1024x128xf32>
    %shift_right_logical3A_232 = arith.constant 5 : i32
    %shift_right_logical3A_233 = vector.broadcast %shift_right_logical3A_232 : i32 to vector<1024x128xi32>
    %shift_right_logical3A_234 = arith.shrui %iota3A, %shift_right_logical3A_233 : vector<1024x128xi32>
    %eq3A_235 = vector.broadcast %and3A_190 : vector<1024x1xi32> to vector<1024x128xi32>
    %eq3A_236 = arith.cmpi eq, %shift_right_logical3A_234, %eq3A_235 : vector<1024x128xi32>
    %add3A_237 = arith.addf %select_n3A_208, %select_n3A_231 : vector<1024x128xf32>
    %jit3A_238 = arith.constant -1.000000e+30 : f32
    %broadcast_in_dim3A_239 = vector.broadcast %jit3A_238 : f32 to vector<1024x128xf32>
    %select_n3A_240 = arith.select %eq3A_236, %add3A_237, %broadcast_in_dim3A_239 : vector<1024x128xi1>, vector<1024x128xf32>
    %reduce_max3A_241 = arith.constant dense<0xFF800000> : vector<1024xf32>
    %reduce_max3A_242 = vector.multi_reduction <maximumf>, %select_n3A_240, %reduce_max3A_241 [1] : vector<1024x128xf32> to vector<1024xf32>
    %broadcast_in_dim3A_243 = vector.shape_cast %reduce_max3A_242 : vector<1024xf32> to vector<1024x1xf32>
    %eq3A_244 = vector.broadcast %broadcast_in_dim3A_243 : vector<1024x1xf32> to vector<1024x128xf32>
    %eq3A_245 = arith.cmpf oeq, %select_n3A_240, %eq3A_244 : vector<1024x128xf32>
    %jit3A_246 = arith.constant 128 : i32
    %broadcast_in_dim3A_247 = vector.broadcast %jit3A_246 : i32 to vector<1024x128xi32>
    %select_n3A_248 = arith.select %eq3A_245, %iota3A, %broadcast_in_dim3A_247 : vector<1024x128xi1>, vector<1024x128xi32>
    %reduce_min3A_249 = arith.constant dense<2147483647> : vector<1024xi32>
    %reduce_min3A_250 = vector.multi_reduction <minsi>, %select_n3A_248, %reduce_min3A_249 [1] : vector<1024x128xi32> to vector<1024xi32>
    %broadcast_in_dim3A_251 = vector.shape_cast %reduce_min3A_250 : vector<1024xi32> to vector<1024x1xi32>
    %and3A_252 = arith.constant 31 : i32
    %and3A_253 = vector.broadcast %and3A_252 : i32 to vector<1024x1xi32>
    %and3A_254 = arith.andi %broadcast_in_dim3A_251, %and3A_253 : vector<1024x1xi32>
    %gt3A_255 = arith.constant 2 : i32
    %gt3A_256 = vector.broadcast %gt3A_255 : i32 to vector<1024x1xi32>
    %gt3A_257 = arith.cmpi sgt, %add3A_35, %gt3A_256 : vector<1024x1xi32>
    %jit3A_258 = arith.constant 0 : i32
    %broadcast_in_dim3A_259 = vector.broadcast %jit3A_258 : i32 to vector<1024x1xi32>
    %select_n3A_260 = arith.select %gt3A_257, %slice3A_184, %broadcast_in_dim3A_259 : vector<1024x1xi1>, vector<1024x1xi32>
    %concatenate3A_261 = tpu.concatenate %select_n3A_106, %select_n3A_183, %select_n3A_260 in 1 : vector<1024x1xi32>, vector<1024x1xi32>, vector<1024x1xi32> -> vector<1024x3xi32>
    %swap3A = arith.constant 0 : index
    %swap3A_262 = arith.constant 0 : index
    %swap3A_263 = vector.load %arg6[%swap3A, %swap3A_262] : memref<1024x3xi32, #tpu.memory_space<vmem>>, vector<1024x3xi32>
    tpu.vector_store %arg6[%swap3A, %swap3A_262], %concatenate3A_261 {strides = array<i32>} : memref<1024x3xi32, #tpu.memory_space<vmem>>, vector<1024x3xi32>,
    %concatenate3A_264 = tpu.concatenate %and3A_100, %and3A_177, %and3A_254 in 1 : vector<1024x1xi32>, vector<1024x1xi32>, vector<1024x1xi32> -> vector<1024x3xi32>
    %swap3A_265 = arith.constant 0 : index
    %swap3A_266 = arith.constant 0 : index
    %swap3A_267 = vector.load %arg7[%swap3A_265, %swap3A_266] : memref<1024x3xi32, #tpu.memory_space<vmem>>, vector<1024x3xi32>
    tpu.vector_store %arg7[%swap3A_265, %swap3A_266], %concatenate3A_264 {strides = array<i32>} : memref<1024x3xi32, #tpu.memory_space<vmem>>, vector<1024x3xi32>,
    return
  }
  func.func @transform_0(%arg0: i32) -> (i32, i32) {
    %c0_i32 = arith.constant 0 : i32
    %c0_i32_0 = arith.constant 0 : i32
    return %arg0, %c0_i32 : i32, i32
  }
  func.func @transform_1(%arg0: i32) -> (i32, i32, i32) {
    %c0_i32 = arith.constant 0 : i32
    %c0_i32_0 = arith.constant 0 : i32
    %c0_i32_1 = arith.constant 0 : i32
    %c0_i32_2 = arith.constant 0 : i32
    return %c0_i32, %c0_i32_0, %c0_i32_1 : i32, i32, i32
  }
  func.func @transform_2(%arg0: i32) -> (i32, i32) {
    %c0_i32 = arith.constant 0 : i32
    %c0_i32_0 = arith.constant 0 : i32
    %c0_i32_1 = arith.constant 0 : i32
    return %c0_i32, %c0_i32_0 : i32, i32
  }
  func.func @transform_3(%arg0: i32) -> (i32, i32) {
    %c0_i32 = arith.constant 0 : i32
    %c0_i32_0 = arith.constant 0 : i32
    return %arg0, %c0_i32 : i32, i32
  }
  func.func @transform_4(%arg0: i32) -> (i32, i32) {
    %c0_i32 = arith.constant 0 : i32
    %c0_i32_0 = arith.constant 0 : i32
    return %arg0, %c0_i32 : i32, i32
  }
  func.func @transform_5(%arg0: i32) -> (i32, i32) {
    %c0_i32 = arith.constant 0 : i32
    %c0_i32_0 = arith.constant 0 : i32
    return %arg0, %c0_i32 : i32, i32
  }
  func.func @transform_6(%arg0: i32) -> (i32, i32) {
    %c0_i32 = arith.constant 0 : i32
    %c0_i32_0 = arith.constant 0 : i32
    return %arg0, %c0_i32 : i32, i32
  }
}

module attributes {stable_mosaic.version = 14 : i64} {
  func.func @_rng_body(%arg0: i32, %arg1: memref<4096x128xf32, #tpu.memory_space<vmem>>, %arg2: memref<4096x128xi32, #tpu.memory_space<vmem>>) attributes {dimension_semantics = [#tpu.dimension_semantics<arbitrary>], iteration_bounds = array<i64: 1>, scalar_prefetch = 0 : i64, scratch_operands = 0 : i64, tpu.core_type = #tpu.core_type<tc>, window_params = [{transform_indices = @transform_0, window_bounds = array<i64: 4096, 128>}, {transform_indices = @transform_1, window_bounds = array<i64: 4096, 128>}]} {
    %iota3A = tpu.iota {dimensions = array<i32: 0>} : vector<4096x128xi32>
    %mul3A = arith.constant 4096 : i32
    %mul3A_0 = arith.muli %mul3A, %arg0 : i32
    %add3A = vector.broadcast %mul3A_0 : i32 to vector<4096x128xi32>
    %add3A_1 = arith.addi %iota3A, %add3A : vector<4096x128xi32>
    %iota3A_2 = tpu.iota {dimensions = array<i32: 1>} : vector<4096x128xi32>
    %lt3A = arith.constant 93 : i32
    %lt3A_3 = vector.broadcast %lt3A : i32 to vector<4096x128xi32>
    %lt3A_4 = arith.cmpi ult, %iota3A_2, %lt3A_3 : vector<4096x128xi32>
    %lt3A_5 = arith.constant 96 : i32
    %lt3A_6 = vector.broadcast %lt3A_5 : i32 to vector<4096x128xi32>
    %lt3A_7 = arith.cmpi ult, %iota3A_2, %lt3A_6 : vector<4096x128xi32>
    %mul3A_8 = arith.constant 93 : i32
    %mul3A_9 = vector.broadcast %mul3A_8 : i32 to vector<4096x128xi32>
    %mul3A_10 = arith.muli %mul3A_9, %add3A_1 : vector<4096x128xi32>
    %add3A_11 = arith.addi %mul3A_10, %iota3A_2 : vector<4096x128xi32>
    %mul3A_12 = arith.constant 3 : i32
    %mul3A_13 = vector.broadcast %mul3A_12 : i32 to vector<4096x128xi32>
    %mul3A_14 = arith.muli %mul3A_13, %add3A_1 : vector<4096x128xi32>
    %add3A_15 = arith.addi %mul3A_14, %iota3A_2 : vector<4096x128xi32>
    %jit3A = arith.constant 93 : i32
    %jit3A_16 = arith.constant 96 : i32
    %broadcast_in_dim3A = vector.broadcast %jit3A : i32 to vector<4096x128xi32>
    %broadcast_in_dim3A_17 = vector.broadcast %jit3A_16 : i32 to vector<4096x128xi32>
    %select_n3A = arith.select %lt3A_7, %broadcast_in_dim3A, %broadcast_in_dim3A_17 : vector<4096x128xi1>, vector<4096x128xi32>
    %sub3A = arith.subi %add3A_15, %select_n3A : vector<4096x128xi32>
    %select_n3A_18 = arith.select %lt3A_4, %add3A_11, %sub3A : vector<4096x128xi1>, vector<4096x128xi32>
    %jit3A_19 = arith.constant 64467757 : i32
    %jit3A_20 = arith.constant 1705926158 : i32
    %broadcast_in_dim3A_21 = vector.broadcast %jit3A_19 : i32 to vector<4096x128xi32>
    %broadcast_in_dim3A_22 = vector.broadcast %jit3A_20 : i32 to vector<4096x128xi32>
    %select_n3A_23 = arith.select %lt3A_7, %broadcast_in_dim3A_21, %broadcast_in_dim3A_22 : vector<4096x128xi1>, vector<4096x128xi32>
    %jit3A_24 = arith.constant -1829035798 : i32
    %broadcast_in_dim3A_25 = vector.broadcast %jit3A_24 : i32 to vector<4096x128xi32>
    %select_n3A_26 = arith.select %lt3A_4, %broadcast_in_dim3A_25, %select_n3A_23 : vector<4096x128xi1>, vector<4096x128xi32>
    %jit3A_27 = arith.constant -1378843660 : i32
    %jit3A_28 = arith.constant 899080142 : i32
    %broadcast_in_dim3A_29 = vector.broadcast %jit3A_27 : i32 to vector<4096x128xi32>
    %broadcast_in_dim3A_30 = vector.broadcast %jit3A_28 : i32 to vector<4096x128xi32>
    %select_n3A_31 = arith.select %lt3A_7, %broadcast_in_dim3A_29, %broadcast_in_dim3A_30 : vector<4096x128xi1>, vector<4096x128xi32>
    %jit3A_32 = arith.constant 255383827 : i32
    %broadcast_in_dim3A_33 = vector.broadcast %jit3A_32 : i32 to vector<4096x128xi32>
    %select_n3A_34 = arith.select %lt3A_4, %broadcast_in_dim3A_33, %select_n3A_31 : vector<4096x128xi1>, vector<4096x128xi32>
    %xor3A = arith.xori %select_n3A_26, %select_n3A_34 : vector<4096x128xi32>
    %xor3A_35 = arith.constant 466688986 : i32
    %xor3A_36 = vector.broadcast %xor3A_35 : i32 to vector<4096x128xi32>
    %xor3A_37 = arith.xori %xor3A, %xor3A_36 : vector<4096x128xi32>
    %broadcast_in_dim3A_38 = arith.constant 0 : i32
    %broadcast_in_dim3A_39 = vector.broadcast %broadcast_in_dim3A_38 : i32 to vector<4096x128xi32>
    %add3A_40 = arith.addi %select_n3A_26, %broadcast_in_dim3A_39 : vector<4096x128xi32>
    %add3A_41 = arith.addi %select_n3A_18, %select_n3A_34 : vector<4096x128xi32>
    %add3A_42 = arith.addi %add3A_40, %add3A_41 : vector<4096x128xi32>
    %shift_left3A = arith.constant 13 : i32
    %shift_left3A_43 = vector.broadcast %shift_left3A : i32 to vector<4096x128xi32>
    %shift_left3A_44 = arith.shli %add3A_41, %shift_left3A_43 : vector<4096x128xi32>
    %shift_right_logical3A = arith.constant 19 : i32
    %shift_right_logical3A_45 = vector.broadcast %shift_right_logical3A : i32 to vector<4096x128xi32>
    %shift_right_logical3A_46 = arith.shrui %add3A_41, %shift_right_logical3A_45 : vector<4096x128xi32>
    %or3A = arith.ori %shift_left3A_44, %shift_right_logical3A_46 : vector<4096x128xi32>
    %xor3A_47 = arith.xori %add3A_42, %or3A : vector<4096x128xi32>
    %add3A_48 = arith.addi %add3A_42, %xor3A_47 : vector<4096x128xi32>
    %shift_left3A_49 = arith.constant 15 : i32
    %shift_left3A_50 = vector.broadcast %shift_left3A_49 : i32 to vector<4096x128xi32>
    %shift_left3A_51 = arith.shli %xor3A_47, %shift_left3A_50 : vector<4096x128xi32>
    %shift_right_logical3A_52 = arith.constant 17 : i32
    %shift_right_logical3A_53 = vector.broadcast %shift_right_logical3A_52 : i32 to vector<4096x128xi32>
    %shift_right_logical3A_54 = arith.shrui %xor3A_47, %shift_right_logical3A_53 : vector<4096x128xi32>
    %or3A_55 = arith.ori %shift_left3A_51, %shift_right_logical3A_54 : vector<4096x128xi32>
    %xor3A_56 = arith.xori %add3A_48, %or3A_55 : vector<4096x128xi32>
    %add3A_57 = arith.addi %add3A_48, %xor3A_56 : vector<4096x128xi32>
    %shift_left3A_58 = arith.constant 26 : i32
    %shift_left3A_59 = vector.broadcast %shift_left3A_58 : i32 to vector<4096x128xi32>
    %shift_left3A_60 = arith.shli %xor3A_56, %shift_left3A_59 : vector<4096x128xi32>
    %shift_right_logical3A_61 = arith.constant 6 : i32
    %shift_right_logical3A_62 = vector.broadcast %shift_right_logical3A_61 : i32 to vector<4096x128xi32>
    %shift_right_logical3A_63 = arith.shrui %xor3A_56, %shift_right_logical3A_62 : vector<4096x128xi32>
    %or3A_64 = arith.ori %shift_left3A_60, %shift_right_logical3A_63 : vector<4096x128xi32>
    %xor3A_65 = arith.xori %add3A_57, %or3A_64 : vector<4096x128xi32>
    %add3A_66 = arith.addi %add3A_57, %xor3A_65 : vector<4096x128xi32>
    %shift_left3A_67 = arith.constant 6 : i32
    %shift_left3A_68 = vector.broadcast %shift_left3A_67 : i32 to vector<4096x128xi32>
    %shift_left3A_69 = arith.shli %xor3A_65, %shift_left3A_68 : vector<4096x128xi32>
    %shift_right_logical3A_70 = arith.constant 26 : i32
    %shift_right_logical3A_71 = vector.broadcast %shift_right_logical3A_70 : i32 to vector<4096x128xi32>
    %shift_right_logical3A_72 = arith.shrui %xor3A_65, %shift_right_logical3A_71 : vector<4096x128xi32>
    %or3A_73 = arith.ori %shift_left3A_69, %shift_right_logical3A_72 : vector<4096x128xi32>
    %xor3A_74 = arith.xori %add3A_66, %or3A_73 : vector<4096x128xi32>
    %add3A_75 = arith.addi %add3A_66, %select_n3A_34 : vector<4096x128xi32>
    %add3A_76 = arith.addi %xor3A_74, %xor3A_37 : vector<4096x128xi32>
    %add3A_77 = arith.constant 1 : i32
    %add3A_78 = vector.broadcast %add3A_77 : i32 to vector<4096x128xi32>
    %add3A_79 = arith.addi %add3A_76, %add3A_78 : vector<4096x128xi32>
    %add3A_80 = arith.addi %add3A_75, %add3A_79 : vector<4096x128xi32>
    %shift_left3A_81 = arith.constant 17 : i32
    %shift_left3A_82 = vector.broadcast %shift_left3A_81 : i32 to vector<4096x128xi32>
    %shift_left3A_83 = arith.shli %add3A_79, %shift_left3A_82 : vector<4096x128xi32>
    %shift_right_logical3A_84 = arith.constant 15 : i32
    %shift_right_logical3A_85 = vector.broadcast %shift_right_logical3A_84 : i32 to vector<4096x128xi32>
    %shift_right_logical3A_86 = arith.shrui %add3A_79, %shift_right_logical3A_85 : vector<4096x128xi32>
    %or3A_87 = arith.ori %shift_left3A_83, %shift_right_logical3A_86 : vector<4096x128xi32>
    %xor3A_88 = arith.xori %add3A_80, %or3A_87 : vector<4096x128xi32>
    %add3A_89 = arith.addi %add3A_80, %xor3A_88 : vector<4096x128xi32>
    %shift_left3A_90 = arith.constant 29 : i32
    %shift_left3A_91 = vector.broadcast %shift_left3A_90 : i32 to vector<4096x128xi32>
    %shift_left3A_92 = arith.shli %xor3A_88, %shift_left3A_91 : vector<4096x128xi32>
    %shift_right_logical3A_93 = arith.constant 3 : i32
    %shift_right_logical3A_94 = vector.broadcast %shift_right_logical3A_93 : i32 to vector<4096x128xi32>
    %shift_right_logical3A_95 = arith.shrui %xor3A_88, %shift_right_logical3A_94 : vector<4096x128xi32>
    %or3A_96 = arith.ori %shift_left3A_92, %shift_right_logical3A_95 : vector<4096x128xi32>
    %xor3A_97 = arith.xori %add3A_89, %or3A_96 : vector<4096x128xi32>
    %add3A_98 = arith.addi %add3A_89, %xor3A_97 : vector<4096x128xi32>
    %shift_left3A_99 = arith.constant 16 : i32
    %shift_left3A_100 = vector.broadcast %shift_left3A_99 : i32 to vector<4096x128xi32>
    %shift_left3A_101 = arith.shli %xor3A_97, %shift_left3A_100 : vector<4096x128xi32>
    %shift_right_logical3A_102 = arith.constant 16 : i32
    %shift_right_logical3A_103 = vector.broadcast %shift_right_logical3A_102 : i32 to vector<4096x128xi32>
    %shift_right_logical3A_104 = arith.shrui %xor3A_97, %shift_right_logical3A_103 : vector<4096x128xi32>
    %or3A_105 = arith.ori %shift_left3A_101, %shift_right_logical3A_104 : vector<4096x128xi32>
    %xor3A_106 = arith.xori %add3A_98, %or3A_105 : vector<4096x128xi32>
    %add3A_107 = arith.addi %add3A_98, %xor3A_106 : vector<4096x128xi32>
    %shift_left3A_108 = arith.constant 24 : i32
    %shift_left3A_109 = vector.broadcast %shift_left3A_108 : i32 to vector<4096x128xi32>
    %shift_left3A_110 = arith.shli %xor3A_106, %shift_left3A_109 : vector<4096x128xi32>
    %shift_right_logical3A_111 = arith.constant 8 : i32
    %shift_right_logical3A_112 = vector.broadcast %shift_right_logical3A_111 : i32 to vector<4096x128xi32>
    %shift_right_logical3A_113 = arith.shrui %xor3A_106, %shift_right_logical3A_112 : vector<4096x128xi32>
    %or3A_114 = arith.ori %shift_left3A_110, %shift_right_logical3A_113 : vector<4096x128xi32>
    %xor3A_115 = arith.xori %add3A_107, %or3A_114 : vector<4096x128xi32>
    %add3A_116 = arith.addi %add3A_107, %xor3A_37 : vector<4096x128xi32>
    %add3A_117 = arith.addi %xor3A_115, %select_n3A_26 : vector<4096x128xi32>
    %add3A_118 = arith.constant 2 : i32
    %add3A_119 = vector.broadcast %add3A_118 : i32 to vector<4096x128xi32>
    %add3A_120 = arith.addi %add3A_117, %add3A_119 : vector<4096x128xi32>
    %add3A_121 = arith.addi %add3A_116, %add3A_120 : vector<4096x128xi32>
    %shift_left3A_122 = arith.constant 13 : i32
    %shift_left3A_123 = vector.broadcast %shift_left3A_122 : i32 to vector<4096x128xi32>
    %shift_left3A_124 = arith.shli %add3A_120, %shift_left3A_123 : vector<4096x128xi32>
    %shift_right_logical3A_125 = arith.constant 19 : i32
    %shift_right_logical3A_126 = vector.broadcast %shift_right_logical3A_125 : i32 to vector<4096x128xi32>
    %shift_right_logical3A_127 = arith.shrui %add3A_120, %shift_right_logical3A_126 : vector<4096x128xi32>
    %or3A_128 = arith.ori %shift_left3A_124, %shift_right_logical3A_127 : vector<4096x128xi32>
    %xor3A_129 = arith.xori %add3A_121, %or3A_128 : vector<4096x128xi32>
    %add3A_130 = arith.addi %add3A_121, %xor3A_129 : vector<4096x128xi32>
    %shift_left3A_131 = arith.constant 15 : i32
    %shift_left3A_132 = vector.broadcast %shift_left3A_131 : i32 to vector<4096x128xi32>
    %shift_left3A_133 = arith.shli %xor3A_129, %shift_left3A_132 : vector<4096x128xi32>
    %shift_right_logical3A_134 = arith.constant 17 : i32
    %shift_right_logical3A_135 = vector.broadcast %shift_right_logical3A_134 : i32 to vector<4096x128xi32>
    %shift_right_logical3A_136 = arith.shrui %xor3A_129, %shift_right_logical3A_135 : vector<4096x128xi32>
    %or3A_137 = arith.ori %shift_left3A_133, %shift_right_logical3A_136 : vector<4096x128xi32>
    %xor3A_138 = arith.xori %add3A_130, %or3A_137 : vector<4096x128xi32>
    %add3A_139 = arith.addi %add3A_130, %xor3A_138 : vector<4096x128xi32>
    %shift_left3A_140 = arith.constant 26 : i32
    %shift_left3A_141 = vector.broadcast %shift_left3A_140 : i32 to vector<4096x128xi32>
    %shift_left3A_142 = arith.shli %xor3A_138, %shift_left3A_141 : vector<4096x128xi32>
    %shift_right_logical3A_143 = arith.constant 6 : i32
    %shift_right_logical3A_144 = vector.broadcast %shift_right_logical3A_143 : i32 to vector<4096x128xi32>
    %shift_right_logical3A_145 = arith.shrui %xor3A_138, %shift_right_logical3A_144 : vector<4096x128xi32>
    %or3A_146 = arith.ori %shift_left3A_142, %shift_right_logical3A_145 : vector<4096x128xi32>
    %xor3A_147 = arith.xori %add3A_139, %or3A_146 : vector<4096x128xi32>
    %add3A_148 = arith.addi %add3A_139, %xor3A_147 : vector<4096x128xi32>
    %shift_left3A_149 = arith.constant 6 : i32
    %shift_left3A_150 = vector.broadcast %shift_left3A_149 : i32 to vector<4096x128xi32>
    %shift_left3A_151 = arith.shli %xor3A_147, %shift_left3A_150 : vector<4096x128xi32>
    %shift_right_logical3A_152 = arith.constant 26 : i32
    %shift_right_logical3A_153 = vector.broadcast %shift_right_logical3A_152 : i32 to vector<4096x128xi32>
    %shift_right_logical3A_154 = arith.shrui %xor3A_147, %shift_right_logical3A_153 : vector<4096x128xi32>
    %or3A_155 = arith.ori %shift_left3A_151, %shift_right_logical3A_154 : vector<4096x128xi32>
    %xor3A_156 = arith.xori %add3A_148, %or3A_155 : vector<4096x128xi32>
    %add3A_157 = arith.addi %add3A_148, %select_n3A_26 : vector<4096x128xi32>
    %add3A_158 = arith.addi %xor3A_156, %select_n3A_34 : vector<4096x128xi32>
    %add3A_159 = arith.constant 3 : i32
    %add3A_160 = vector.broadcast %add3A_159 : i32 to vector<4096x128xi32>
    %add3A_161 = arith.addi %add3A_158, %add3A_160 : vector<4096x128xi32>
    %add3A_162 = arith.addi %add3A_157, %add3A_161 : vector<4096x128xi32>
    %shift_left3A_163 = arith.constant 17 : i32
    %shift_left3A_164 = vector.broadcast %shift_left3A_163 : i32 to vector<4096x128xi32>
    %shift_left3A_165 = arith.shli %add3A_161, %shift_left3A_164 : vector<4096x128xi32>
    %shift_right_logical3A_166 = arith.constant 15 : i32
    %shift_right_logical3A_167 = vector.broadcast %shift_right_logical3A_166 : i32 to vector<4096x128xi32>
    %shift_right_logical3A_168 = arith.shrui %add3A_161, %shift_right_logical3A_167 : vector<4096x128xi32>
    %or3A_169 = arith.ori %shift_left3A_165, %shift_right_logical3A_168 : vector<4096x128xi32>
    %xor3A_170 = arith.xori %add3A_162, %or3A_169 : vector<4096x128xi32>
    %add3A_171 = arith.addi %add3A_162, %xor3A_170 : vector<4096x128xi32>
    %shift_left3A_172 = arith.constant 29 : i32
    %shift_left3A_173 = vector.broadcast %shift_left3A_172 : i32 to vector<4096x128xi32>
    %shift_left3A_174 = arith.shli %xor3A_170, %shift_left3A_173 : vector<4096x128xi32>
    %shift_right_logical3A_175 = arith.constant 3 : i32
    %shift_right_logical3A_176 = vector.broadcast %shift_right_logical3A_175 : i32 to vector<4096x128xi32>
    %shift_right_logical3A_177 = arith.shrui %xor3A_170, %shift_right_logical3A_176 : vector<4096x128xi32>
    %or3A_178 = arith.ori %shift_left3A_174, %shift_right_logical3A_177 : vector<4096x128xi32>
    %xor3A_179 = arith.xori %add3A_171, %or3A_178 : vector<4096x128xi32>
    %add3A_180 = arith.addi %add3A_171, %xor3A_179 : vector<4096x128xi32>
    %shift_left3A_181 = arith.constant 16 : i32
    %shift_left3A_182 = vector.broadcast %shift_left3A_181 : i32 to vector<4096x128xi32>
    %shift_left3A_183 = arith.shli %xor3A_179, %shift_left3A_182 : vector<4096x128xi32>
    %shift_right_logical3A_184 = arith.constant 16 : i32
    %shift_right_logical3A_185 = vector.broadcast %shift_right_logical3A_184 : i32 to vector<4096x128xi32>
    %shift_right_logical3A_186 = arith.shrui %xor3A_179, %shift_right_logical3A_185 : vector<4096x128xi32>
    %or3A_187 = arith.ori %shift_left3A_183, %shift_right_logical3A_186 : vector<4096x128xi32>
    %xor3A_188 = arith.xori %add3A_180, %or3A_187 : vector<4096x128xi32>
    %add3A_189 = arith.addi %add3A_180, %xor3A_188 : vector<4096x128xi32>
    %shift_left3A_190 = arith.constant 24 : i32
    %shift_left3A_191 = vector.broadcast %shift_left3A_190 : i32 to vector<4096x128xi32>
    %shift_left3A_192 = arith.shli %xor3A_188, %shift_left3A_191 : vector<4096x128xi32>
    %shift_right_logical3A_193 = arith.constant 8 : i32
    %shift_right_logical3A_194 = vector.broadcast %shift_right_logical3A_193 : i32 to vector<4096x128xi32>
    %shift_right_logical3A_195 = arith.shrui %xor3A_188, %shift_right_logical3A_194 : vector<4096x128xi32>
    %or3A_196 = arith.ori %shift_left3A_192, %shift_right_logical3A_195 : vector<4096x128xi32>
    %xor3A_197 = arith.xori %add3A_189, %or3A_196 : vector<4096x128xi32>
    %add3A_198 = arith.addi %add3A_189, %select_n3A_34 : vector<4096x128xi32>
    %add3A_199 = arith.addi %xor3A_197, %xor3A_37 : vector<4096x128xi32>
    %add3A_200 = arith.constant 4 : i32
    %add3A_201 = vector.broadcast %add3A_200 : i32 to vector<4096x128xi32>
    %add3A_202 = arith.addi %add3A_199, %add3A_201 : vector<4096x128xi32>
    %add3A_203 = arith.addi %add3A_198, %add3A_202 : vector<4096x128xi32>
    %shift_left3A_204 = arith.constant 13 : i32
    %shift_left3A_205 = vector.broadcast %shift_left3A_204 : i32 to vector<4096x128xi32>
    %shift_left3A_206 = arith.shli %add3A_202, %shift_left3A_205 : vector<4096x128xi32>
    %shift_right_logical3A_207 = arith.constant 19 : i32
    %shift_right_logical3A_208 = vector.broadcast %shift_right_logical3A_207 : i32 to vector<4096x128xi32>
    %shift_right_logical3A_209 = arith.shrui %add3A_202, %shift_right_logical3A_208 : vector<4096x128xi32>
    %or3A_210 = arith.ori %shift_left3A_206, %shift_right_logical3A_209 : vector<4096x128xi32>
    %xor3A_211 = arith.xori %add3A_203, %or3A_210 : vector<4096x128xi32>
    %add3A_212 = arith.addi %add3A_203, %xor3A_211 : vector<4096x128xi32>
    %shift_left3A_213 = arith.constant 15 : i32
    %shift_left3A_214 = vector.broadcast %shift_left3A_213 : i32 to vector<4096x128xi32>
    %shift_left3A_215 = arith.shli %xor3A_211, %shift_left3A_214 : vector<4096x128xi32>
    %shift_right_logical3A_216 = arith.constant 17 : i32
    %shift_right_logical3A_217 = vector.broadcast %shift_right_logical3A_216 : i32 to vector<4096x128xi32>
    %shift_right_logical3A_218 = arith.shrui %xor3A_211, %shift_right_logical3A_217 : vector<4096x128xi32>
    %or3A_219 = arith.ori %shift_left3A_215, %shift_right_logical3A_218 : vector<4096x128xi32>
    %xor3A_220 = arith.xori %add3A_212, %or3A_219 : vector<4096x128xi32>
    %add3A_221 = arith.addi %add3A_212, %xor3A_220 : vector<4096x128xi32>
    %shift_left3A_222 = arith.constant 26 : i32
    %shift_left3A_223 = vector.broadcast %shift_left3A_222 : i32 to vector<4096x128xi32>
    %shift_left3A_224 = arith.shli %xor3A_220, %shift_left3A_223 : vector<4096x128xi32>
    %shift_right_logical3A_225 = arith.constant 6 : i32
    %shift_right_logical3A_226 = vector.broadcast %shift_right_logical3A_225 : i32 to vector<4096x128xi32>
    %shift_right_logical3A_227 = arith.shrui %xor3A_220, %shift_right_logical3A_226 : vector<4096x128xi32>
    %or3A_228 = arith.ori %shift_left3A_224, %shift_right_logical3A_227 : vector<4096x128xi32>
    %xor3A_229 = arith.xori %add3A_221, %or3A_228 : vector<4096x128xi32>
    %add3A_230 = arith.addi %add3A_221, %xor3A_229 : vector<4096x128xi32>
    %shift_left3A_231 = arith.constant 6 : i32
    %shift_left3A_232 = vector.broadcast %shift_left3A_231 : i32 to vector<4096x128xi32>
    %shift_left3A_233 = arith.shli %xor3A_229, %shift_left3A_232 : vector<4096x128xi32>
    %shift_right_logical3A_234 = arith.constant 26 : i32
    %shift_right_logical3A_235 = vector.broadcast %shift_right_logical3A_234 : i32 to vector<4096x128xi32>
    %shift_right_logical3A_236 = arith.shrui %xor3A_229, %shift_right_logical3A_235 : vector<4096x128xi32>
    %or3A_237 = arith.ori %shift_left3A_233, %shift_right_logical3A_236 : vector<4096x128xi32>
    %xor3A_238 = arith.xori %add3A_230, %or3A_237 : vector<4096x128xi32>
    %add3A_239 = arith.addi %add3A_230, %xor3A_37 : vector<4096x128xi32>
    %add3A_240 = arith.addi %xor3A_238, %select_n3A_26 : vector<4096x128xi32>
    %add3A_241 = arith.constant 5 : i32
    %add3A_242 = vector.broadcast %add3A_241 : i32 to vector<4096x128xi32>
    %add3A_243 = arith.addi %add3A_240, %add3A_242 : vector<4096x128xi32>
    %xor3A_244 = arith.xori %add3A_239, %add3A_243 : vector<4096x128xi32>
    %shift_right_logical3A_245 = arith.constant 9 : i32
    %shift_right_logical3A_246 = vector.broadcast %shift_right_logical3A_245 : i32 to vector<4096x128xi32>
    %shift_right_logical3A_247 = arith.shrui %xor3A_244, %shift_right_logical3A_246 : vector<4096x128xi32>
    %or3A_248 = arith.constant 1065353216 : i32
    %or3A_249 = vector.broadcast %or3A_248 : i32 to vector<4096x128xi32>
    %or3A_250 = arith.ori %shift_right_logical3A_247, %or3A_249 : vector<4096x128xi32>
    %bitcast_convert_type3A = tpu.bitcast %or3A_250 : vector<4096x128xi32> -> vector<4096x128xf32>
    %sub3A_251 = arith.constant 1.000000e+00 : f32
    %sub3A_252 = vector.broadcast %sub3A_251 : f32 to vector<4096x128xf32>
    %sub3A_253 = arith.subf %bitcast_convert_type3A, %sub3A_252 : vector<4096x128xf32>
    %mul3A_254 = arith.constant 1.000000e+00 : f32
    %mul3A_255 = vector.broadcast %mul3A_254 : f32 to vector<4096x128xf32>
    %mul3A_256 = arith.mulf %sub3A_253, %mul3A_255 : vector<4096x128xf32>
    %add3A_257 = arith.constant 1.17549435E-38 : f32
    %add3A_258 = vector.broadcast %add3A_257 : f32 to vector<4096x128xf32>
    %add3A_259 = arith.addf %mul3A_256, %add3A_258 : vector<4096x128xf32>
    %max3A = arith.constant 1.17549435E-38 : f32
    %max3A_260 = vector.broadcast %max3A : f32 to vector<4096x128xf32>
    %max3A_261 = arith.maximumf %max3A_260, %add3A_259 : vector<4096x128xf32>
    %log3A = math.log %max3A_261 : vector<4096x128xf32>
    %neg3A = arith.constant 0.000000e+00 : f32
    %neg3A_262 = vector.broadcast %neg3A : f32 to vector<4096x128xf32>
    %neg3A_263 = arith.subf %neg3A_262, %log3A : vector<4096x128xf32>
    %log3A_264 = math.log %neg3A_263 : vector<4096x128xf32>
    %neg3A_265 = arith.constant 0.000000e+00 : f32
    %neg3A_266 = vector.broadcast %neg3A_265 : f32 to vector<4096x128xf32>
    %neg3A_267 = arith.subf %neg3A_266, %log3A_264 : vector<4096x128xf32>
    %swap3A = arith.constant 0 : index
    %swap3A_268 = arith.constant 0 : index
    %swap3A_269 = vector.load %arg1[%swap3A, %swap3A_268] : memref<4096x128xf32, #tpu.memory_space<vmem>>, vector<4096x128xf32>
    tpu.vector_store %arg1[%swap3A, %swap3A_268], %neg3A_267 {strides = array<i32>} : memref<4096x128xf32, #tpu.memory_space<vmem>>, vector<4096x128xf32>,
    %and3A = arith.constant 15 : i32
    %and3A_270 = vector.broadcast %and3A : i32 to vector<4096x128xi32>
    %and3A_271 = arith.andi %xor3A_244, %and3A_270 : vector<4096x128xi32>
    %bitcast_convert_type3A_272 = tpu.bitcast %and3A_271 : vector<4096x128xi32> -> vector<4096x128xi32>
    %swap3A_273 = arith.constant 0 : index
    %swap3A_274 = arith.constant 0 : index
    %swap3A_275 = vector.load %arg2[%swap3A_273, %swap3A_274] : memref<4096x128xi32, #tpu.memory_space<vmem>>, vector<4096x128xi32>
    tpu.vector_store %arg2[%swap3A_273, %swap3A_274], %bitcast_convert_type3A_272 {strides = array<i32>} : memref<4096x128xi32, #tpu.memory_space<vmem>>, vector<4096x128xi32>,
    return
  }
  func.func @transform_0(%arg0: i32) -> (i32, i32) {
    %c0_i32 = arith.constant 0 : i32
    %c0_i32_0 = arith.constant 0 : i32
    return %arg0, %c0_i32 : i32, i32
  }
  func.func @transform_1(%arg0: i32) -> (i32, i32) {
    %c0_i32 = arith.constant 0 : i32
    %c0_i32_0 = arith.constant 0 : i32
    return %arg0, %c0_i32 : i32, i32
  }
}

</mosaic_0001>

<sc_bundles>
// kernel: kernel.5.cloned.1.call-start
scs
__scs_entry_jumppad:
0x0: {  	(pc) =	sbr.rel $0x88, $3  }
0x1: {  	(tag) =	ssettag $0x0;
	lr =	simm.s32 $0x1  }
0x2: {  	[smem:$0x3F9D] =	sst lr;
	_ =	strace $0xD0000000  }
0x3: {  	_ = 	snop  }
0x4: {  	_ = 	snop  }
0x5: {  	_ = 	snop  }
0x6: {  	_ = 	snop  }
0x7: {  	_ = 	snop  }
__scs_overlays_trampoline_lowered:
0x8: {  	[smem:$0x3FAC] =	sst s0  }
0x9: {  	[smem:$0x3FAD] =	sst s1  }
0xa: {  	[smem:$0x3FAE] =	sst s2  }
0xb: {  	[smem:$0x3FAF] =	sst s3  }
0xc: {  	[smem:$0x3FB0] =	sst s4  }
0xd: {  	[smem:$0x3FB1] =	sst s5  }
0xe: {  	[smem:$0x3FB2] =	sst s6  }
0xf: {  	[smem:$0x3FB3] =	sst s7  }
0x10: {  	[smem:$0x3FB4] =	sst s8  }
0x11: {  	[smem:$0x3FB5] =	sst s9;
	s0 =	simm.s32 @!p0 $0x0  }
0x12: {  	s1 =	sld [smem:$0x3F9B];
	s0 =	simm.s32 @p0 $0x1  }
0x13: {  	[smem:$0x3FB6] =	sst s0;
	s0 =	simm.s32 @!p1 $0x0  }
0x14: {  	s2 =	sld [smem:$0x3F9A];
	s0 =	simm.s32 @p1 $0x1  }
0x15: {  	[smem:$0x3FB7] =	sst s0;
	s0 =	simm.s32 @!p2 $0x0  }
0x16: {  	s3 =	sld [smem:$0x3FDB];
	s0 =	simm.s32 @p2 $0x1  }
0x17: {  	s4 =	simm.s32 $0x1BF5;
	[smem:$0x3FB9] =	sst s0  }
0x18: {  	s0 =	sld [smem:$0x3F9C];
	_ =	swait.ge [sflag:s4], $0x0  }
0x19: {  	s7 =	sld [smem:$0x3F9D]  }
0x1a: {  	s8 =	sadd.s32 $0xFFFFE003, lr  }
0x1b: {  	s9 =	sadd.s32 $0xFFFFFEF7, lr;
	s5 =	simm.s32 $0xFFFFFFFF;
	p2 =	slt.u32 s8, $0xFFFFF086  }
0x1c: {  	p1 =	slt.u32 s9, $0xF7A;
	s5 =	simm.s32 @!p2 $0x0  }
0x1d: {  	s5 =	simm.s32 @p1 $0x1;
	p0 =	seq.s32 s7, s2  }
0x1e: {  	s7 =	smul.u32 @!p0 $0xF7A, s2;
	p2 =	seq.s32 @!p0 s5, $0x0  }
0x1f: {  	s9 =	smul.u32 $0xF7A, s1;
	s8 =	simm.s32 @!p0 $0x1BF5;
	p2 =	por !p2, p0  }
0x20: {  	[sflag:s8] =	ssyncset.s32 @!p0 $0xFFFFF086;
	s6 =	sadd.s32 @!p0 s3, s7;
	s7 =	simm.s32 @!p0 $0x108  }
0x21: {  	s3 =	sadd.s32 s3, s9;
	s6 =	sadd.s32 @!p0 $0x88, s6;
	s7 =	simm.s32 @p2 $0x1082  }
0x22: {  	[simem:s7], [sflag:s8] =	dma.local @!p0 [hbm:s6], $0xF7A  }
0x23: {  	s9 =	sor.u32 $0xD0000000, s2;
	s6 =	simm.s32 $0x108;
	_ =	swait.ge @!p0 [sflag:s8], $0x0  }
0x24: {  	s3 =	sadd.s32 $0x88, s3;
	s6 =	simm.s32 @!p1 $0x1082;
	[sflag:s4] =	ssyncset.s32 $0xFFFFF086  }
0x25: {  	[simem:s6], [sflag:s4] =	dma.local [hbm:s3], $0xF7A  }
0x26: {  	[smem:$0x3F9D] =	sst s1;
	(tag) =	ssettag s2;
	_ =	strace s9  }
0x27: {  	s1 =	sld [smem:$0x3FAD]  }
0x28: {  	s2 =	sld [smem:$0x3FAE]  }
0x29: {  	s4 =	sld [smem:$0x3FB0]  }
0x2a: {  	p0 =	seq.s32 s5, $0x0;
	s5 =	sld [smem:$0x3FB1]  }
0x2b: {  	s6 =	sld [smem:$0x3FB2]  }
0x2c: {  	s7 =	sld [smem:$0x3FB3]  }
0x2d: {  	s3 =	simm.s32 $0x108;
	s8 =	sld [smem:$0x3FB4]  }
0x2e: {  	s3 =	simm.s32 @!p0 $0x1082;
	s9 =	sld [smem:$0x3FB5]  }
0x2f: {  	lr =	sadd.s32 s0, s3;
	s0 =	sld [smem:$0x3FAC]  }
0x30: {  	s3 =	sld [smem:$0x3FAF]  }
0x31: {  	[smem:$0x3FB8] =	sst s10  }
0x32: {  	s10 =	sld [smem:$0x3FB6];
	_ =	sdelay $0x3  }
0x33: {  	p0 =	seq.s32 s10, $0x1;
	s10 =	sld [smem:$0x3FB8];
	_ =	sdelay $0x3  }
0x34: {  	[smem:$0x3FB8] =	sst s10  }
0x35: {  	s10 =	sld [smem:$0x3FB7];
	_ =	sdelay $0x3  }
0x36: {  	p1 =	seq.s32 s10, $0x1;
	s10 =	sld [smem:$0x3FB8];
	_ =	sdelay $0x3  }
0x37: {  	[smem:$0x3FB8] =	sst s10  }
0x38: {  	s10 =	sld [smem:$0x3FB9]  }
0x39: {  	_ = 	snop;
	(pc) =	sbr.ind lr, $3  }
0x3a: {  	_ = 	snop  }
0x3b: {  	_ = 	snop  }
0x3c: {  	p2 =	seq.s32 s10, $0x1;
	s10 =	sld [smem:$0x3FB8]  }
0x3d: {  	_ =	shalt  }
0x3e: {  	_ =	shalt  }
0x3f: {  	_ =	shalt  }
0x40: {  	_ =	shalt  }
0x41: {  	_ =	shalt  }
0x42: {  	_ =	shalt  }
0x43: {  	_ =	shalt  }
0x44: {  	_ =	shalt  }
0x45: {  	_ =	shalt  }
0x46: {  	_ =	shalt  }
0x47: {  	_ =	shalt  }
0x48: {  	_ =	shalt  }
0x49: {  	_ =	shalt  }
0x4a: {  	_ =	shalt  }
0x4b: {  	_ =	shalt  }
0x4c: {  	_ =	shalt  }
0x4d: {  	_ =	shalt  }
0x4e: {  	_ =	shalt  }
0x4f: {  	_ =	shalt  }
0x50: {  	_ =	shalt  }
0x51: {  	_ =	shalt  }
0x52: {  	_ =	shalt  }
0x53: {  	_ =	shalt  }
0x54: {  	_ =	shalt  }
0x55: {  	_ =	shalt  }
0x56: {  	_ =	shalt  }
0x57: {  	_ =	shalt  }
0x58: {  	_ =	shalt  }
0x59: {  	_ =	shalt  }
0x5a: {  	_ =	shalt  }
0x5b: {  	_ =	shalt  }
0x5c: {  	_ =	shalt  }
0x5d: {  	_ =	shalt  }
0x5e: {  	_ =	shalt  }
0x5f: {  	_ =	shalt  }
0x60: {  	_ =	shalt  }
0x61: {  	_ =	shalt  }
0x62: {  	_ =	shalt  }
0x63: {  	_ =	shalt  }
0x64: {  	_ =	shalt  }
0x65: {  	_ =	shalt  }
0x66: {  	_ =	shalt  }
0x67: {  	_ =	shalt  }
0x68: {  	_ =	shalt  }
0x69: {  	_ =	shalt  }
0x6a: {  	_ =	shalt  }
0x6b: {  	_ =	shalt  }
0x6c: {  	_ =	shalt  }
0x6d: {  	_ =	shalt  }
0x6e: {  	_ =	shalt  }
0x6f: {  	_ =	shalt  }
0x70: {  	_ =	shalt  }
0x71: {  	_ =	shalt  }
0x72: {  	_ =	shalt  }
0x73: {  	_ =	shalt  }
0x74: {  	_ =	shalt  }
0x75: {  	_ =	shalt  }
0x76: {  	_ =	shalt  }
0x77: {  	_ =	shalt  }
0x78: {  	_ =	shalt  }
0x79: {  	_ =	shalt  }
0x7a: {  	_ =	shalt  }
0x7b: {  	_ =	shalt  }
0x7c: {  	_ =	shalt  }
0x7d: {  	_ =	shalt  }
0x7e: {  	_ =	shalt  }
0x7f: {  	_ =	shalt  }
0x80: {  	_ =	shalt  }
0x81: {  	_ =	shalt  }
0x82: {  	_ =	shalt  }
0x83: {  	_ =	shalt  }
0x84: {  	_ =	shalt  }
0x85: {  	_ =	shalt  }
0x86: {  	_ =	shalt  }
0x87: {  	_ =	shalt  }
.Lfunc_end0:
.L_simem_size_0:
called_computation_lowered:
.L_overlay_start_0:
0x88: {  	s2 =	sld [smem:$0x3FD9]  }
0x89: {  	s3 =	sld [smem:$0x3FFE];
	_ =	sdelay $0x1  }
0x8a: {  	s1 =	srdreg.scid  }
0x8b: {  	s0 =	sand.u32 $0x1, s1  }
0x8c: {  	s17 =	sshll.u32 s0, $0xA;
	s2 =	sadd.s32 s3, s2  }
0x8d: {  	s2 =	sadd.s32 s2, s17  }
0x8e: {  	[smem:$0x3FC4] =	sst s2  }
0x8f: {  	_ = 	snop  }
0x90: {  	s2 =	sld [smem:$0x3FC9]  }
0x91: {  	s18 =	sld [smem:$0x3FC8];
	(tm) =	ssettm $0x1  }
0x92: {  	s4 =	sld [smem:$0x3FFB];
	_ =	sdelay $0x3  }
0x93: {  	_ =	strace s4  }
0x94: {  	s4 =	sld [smem:$0x3FFC];
	_ =	sdelay $0x3  }
0x95: {  	_ =	strace s4  }
0x96: {  	s4 =	sld [smem:$0x3FFD];
	_ =	sdelay $0x3  }
0x97: {  	_ =	strace s4  }
0x98: {  	_ =	strace $0x8FFFFFFF  }
0x99: {  	s19 =	sld [smem:$0x3FDB];
	_ =	sdelay $0x1  }
0x9a: {  	s5 =	simm.s32 $_scs_section_size  }
0x9b: {  	s6 =	simm.s32 $_size__tile_overlayer_lowered;
	s7 =	simm.s32 $_tile_overlayer_lowered  }
0x9c: {  	s22 =	simm.s32 $0x1BFF;
	s21 =	sshll.u32 s7, $0x1;
	s4 =	sadd.s32 s5, s19  }
0x9d: {  	s8 =	simm.s32 $0x0;
	s20 =	sshll.u32 s6, $0x1;
	s6 =	sadd.s32 s21, s4  }
0x9e: {  	[timem:s8], [sflag:s22] =	dma.local [hbm:s6], s20  }
0x9f: {  	_ =	swait.ge [sflag:s22], s20  }
0xa0: {  	s5 =	ssub.s32 $0x0, s20;
	[sflag:s22] =	ssyncset.done $0x0  }
0xa1: {  	[sflag:s22] =	ssyncadd.s32 s5;
	_ =	sdelay $0x1  }
0xa2: {  	s23 =	simm.s32 $0x1B8B  }
0xa3: {  	_ =	swait.ge [sflag:s23], $0x1  }
0xa4: {  	[sflag:s23] =	ssyncset.done $0x0  }
0xa5: {  	s25 =	simm.s32 $0x1B8E;
	s24 =	sld [smem:$0x3FFE];
	[sflag:s23] =	ssyncadd.s32 $0xFFFFFFFF  }
0xa6: {  	s26 =	simm.s32 $execute0_lowered;
	[smem:$0x3FD2] =	sst s25  }
0xa7: {  	s6 =	sshll.u32 s26, $0x1;
	_ =	strace $0x80000046;
	[dreg:$0x1] =	wrdreg $0xFFFFFFFF  }
0xa8: {  	s28 =	simm.s32 $_size_execute0_lowered;
	s4 =	sadd.s32 s4, s6;
	[dreg:$0x0] =	wrdreg $0x0  }
0xa9: {  	s6 =	sshll.u32 s28, $0x1;
	[dreg:$0x2] =	wrdreg s4  }
0xaa: {  	[dreg:$0x3] =	wrdreg s6  }
0xab: {  	[dreg:$0x4] =	wrdreg $0xC0  }
0xac: {  	_ =	task [dreg:s8], $0x5FFFF  }
0xad: {  	[dreg:$0x1] =	wrdreg $0xFFFFFFFF  }
0xae: {  	[dreg:$0x0] =	wrdreg $0x60  }
0xaf: {  	[dreg:$0x2] =	wrdreg s18  }
0xb0: {  	[dreg:$0x3] =	wrdreg s2  }
0xb1: {  	[dreg:$0x4] =	wrdreg s24  }
0xb2: {  	[dreg:$0x5] =	wrdreg $0x9  }
0xb3: {  	_ =	task.clear_ibuf [dreg:s8], $0x6FFFF;
	_ =	strace $0x90000046  }
0xb4: {  	s29 =	simm.s32 $0x9;
	_ =	strace $0x80000048  }
0xb5: {  	_ =	swait.ge [sflag:s29], $0x1  }
0xb6: {  	[sflag:s29] =	ssyncadd.s32 $0xFFFFFFFF  }
0xb7: {  	_ =	strace $0x90000048  }
0xb8: {  	_ =	sfence  }
0xb9: {  	s30 =	sld [smem:$0x0];
	_ =	sdelay $0x2  }
0xba: {  	s31 =	sshll.u32 s1, $0xD;
	s1 =	sshrl.u32 s1, $0x2  }
0xbb: {  	s3 =	sand.u32 $0x4000, s31;
	s1 =	sadd.s32 s1, s30  }
0xbc: {  	s0 =	sor.u32 s3, s0;
	s1 =	sshll.u32 s1, $0x11  }
0xbd: {  	s0 =	sor.u32 s1, s0  }
0xbe: {  	s0 =	sadd.s32 $0x8F2B, s0  }
0xbf: {  	[sflag:s0] =	ssyncadd.remote.s32 $0x1  }
0xc0: {  	_ =	sfence.sel $0xFFFF  }
0xc1: {  	[dreg:$0x0] =	wrdreg $0xFFFFFFFF;
	(pc) =	sbr.abs _section_cstart, $3  }
0xc2: {  	[dreg:$0x1] =	wrdreg $0xFFFFFFFF  }
0xc3: {  	_ =	task.clear_ibuf [dreg:s8], $0x2FFFF;
	_ =	strace $0x9FFFFFFF  }
0xc4: {  	(tm) =	ssettm $0x7FFFFFFF  }
0xc5: {  	_ =	shalt  }
tec
execute0_lowered:
.L_overlay_start_1:
0x0: {  	(tag) =	ssettag $0x1  }
0x1: {  	s1 =	rddreg [dreg:$0x0];
	s2 =	srdreg.scid  }
0x2: {  	s4 =	rddreg [dreg:$0x1];
	s0 =	stileid.u32  }
0x3: {  	s8 =	rddreg [dreg:$0x2];
	s3 =	simm.s32 $0x0;
	s6 =	sand.u32 $0x1, s2  }
0x4: {  	s5 =	sshll.u32 s0, $0x8;
	s2 =	rddreg [dreg:$0x3];
	s7 =	sshll.u32 s6, $0x7  }
0x5: {  	[smem:$0x7FF] =	sst s3;
	s9 =	sor.u32 s7, s5  }
0x6: {  	_ =	strace $0x80000047;
	s10 =	ssub.s32 $0x2, s6;
	s5 =	sshrl.u32 s9, $0x3  }
0x7: {  	s6 =	simm.s32 $0x80;
	s5 =	sadd.s32 s4, s5;
	s4 =	simm.s32 $0x2  }
0x8: {  	[tilespmem:s3], [sflag:$0x2] =	stream.linear.gather [hbm4b:s5+s3], $0x80, $0x38;
	[tilespmem:$0x4080] =	vst v63  }
0x9: {  	s7 =	simm.s32 $0x1;
	s11 =	sshrl.u32 s10, $0x1;
	_ =	swait.ge [sflag:s4], $0x80  }
0xa: {  	s9 =	sshll.u32 s9, $0x4;
	s31 =	ssub.s32 s10, s11;
	[sflag:s4] =	ssyncset.done $0x0  }
0xb: {  	s8 =	sadd.s32 s9, s8;
	s9 =	smax.u32 s31, $0x1;
	[sflag:s4] =	ssyncadd.s32 $0xFFFFFF80  }
0xc: {  	[tilespmem:s6], [sflag:$0x1] =	stream.indirect.gather [hbm4b:s1+s6], $0x80, s3, s6, $0xb8;
	[tilespmem:$0x4080] =	vst v63  }
0xd: {  	p0 =	sne.s32 s9, $0x1;
	_ =	swait.ge [sflag:s7], $0x4000  }
.Ltmp0:
0xe: {  	[sflag:s7] =	ssyncset.done $0x0;
	(pc) =	sbr.rel @!p0 .LBB2_2-.Ltmp0, $4  }
0xf: {  	s8 =	sadd.s32 $0xE00, s8;
	[sflag:s7] =	ssyncadd.s32 $0xFFFFC000  }
0x10: {  	[hbm4b:s8+s3] =	stream.linear.scatter [tilespmem:s6], [sflag:$0x2], $0x4000, $0x38;
	[tilespmem:$0x4080] =	vst v63  }
0x11: {  	_ =	swait.ge [sflag:s4], $0x4000  }
0x12: {  	s9 =	sadd.s32 $0xFFFFFFFF, s9;
	[sflag:s4] =	ssyncset.done $0x0  }
.LBB2_1:
0x13: {  	p0 =	sne.s32 s9, $0x1;
	s9 =	sadd.s32 $0xFFFFFFFF, s9;
	[sflag:s4] =	ssyncadd.s32 $0xFFFFC000  }
0x14: {  	[tilespmem:s3], [sflag:$0x2] =	stream.linear.gather [hbm4b:s5+s3], $0x80, $0x38;
	[tilespmem:$0x4080] =	vst v63  }
0x15: {  	_ =	swait.ge [sflag:s4], $0x80  }
0x16: {  	[sflag:s4] =	ssyncset.done $0x0  }
0x17: {  	[sflag:s4] =	ssyncadd.s32 $0xFFFFFF80  }
0x18: {  	[tilespmem:s6], [sflag:$0x1] =	stream.indirect.gather [hbm4b:s1+s6], $0x80, s3, s6, $0xb8;
	[tilespmem:$0x4080] =	vst v63  }
0x19: {  	_ =	swait.ge [sflag:s7], $0x4000  }
.Ltmp1:
0x1a: {  	[sflag:s7] =	ssyncset.done $0x0;
	(pc) =	sbr.rel @p0 .LBB2_1-.Ltmp1, $4  }
0x1b: {  	[sflag:s7] =	ssyncadd.s32 $0xFFFFC000  }
0x1c: {  	[hbm4b:s8+s3] =	stream.linear.scatter [tilespmem:s6], [sflag:$0x2], $0x4000, $0x38;
	[tilespmem:$0x4080] =	vst v63  }
0x1d: {  	_ =	swait.ge [sflag:s4], $0x4000  }
0x1e: {  	[sflag:s4] =	ssyncset.done $0x0  }
.LBB2_2:
0x1f: {  	[sflag:s4] =	ssyncadd.s32 $0xFFFFC000  }
0x20: {  	_ =	sfence.sel $0x180000  }
0x21: {  	[bflag:$0x0] =	sbarrier.arrive $0xFFFF  }
0x22: {  	p0 =	sne.s32 s0, $0x0;
	_ =	strace $0x90000047  }
0x23: {  	s0 =	sadd.s32 @!p0 $0x100000, s2;
	[bflag:$0x2] =	sbarrier.arrive $0xFFFF  }
0x24: {  	[sflag:s0] =	ssyncadd.tile.s32 @!p0 $0x1;
	_ =	shalt  }
.Lfunc_end2:
_tile_overlayer_lowered:
.L_overlay_start_2:
0x25: {  	(tag) =	ssettag $0x2  }
0x26: {  	s0 =	rddreg [dreg:$0x0];
	s2 =	stileid.u32  }
0x27: {  	s1 =	rddreg [dreg:$0x1];
	p0 =	sne.s32 s2, $0x0  }
0x28: {  	s3 =	rddreg [dreg:$0x2];
	[bflag:$0x3] =	sbarrier.arrive $0xFFFF;
	s2 =	simm.s32 @!p0 $0x1C02  }
0x29: {  	[timem:s3], [sflag:s2] =	dma.local @!p0 [hbm:s0], s1  }
0x2a: {  	s0 =	simm.s32 @!p0 $0x2  }
0x2b: {  	_ =	swait.ge @!p0 [sflag:s0], s1  }
0x2c: {  	s1 =	ssub.s32 @!p0 $0x0, s1;
	[sflag:s0] =	ssyncset.done @!p0 $0x0  }
0x2d: {  	[sflag:s0] =	ssyncadd.s32 @!p0 s1  }
0x2e: {  	[bflag:$0x3] =	sbarrier.arrive $0xFFFF  }
0x2f: {  	_ =	shalt  }

</sc_bundles>
